<compile_context>
chip_gen: v7x
topology: tpu7x:2x2x1
jax: 0.10.2.dev20260603
libtpu: 0.0.44.dev20260713+nightly
codegen_flags: <defaults>
</compile_context>

<pallas_src>
import functools

import jax
import jax.numpy as jnp
from jax import lax
from jax.experimental import pallas as pl
from jax.experimental.pallas import tpu as pltpu
from jax.experimental.pallas import tpu_sc as plsc

L = 16
CH = 128
SH = 7
NC = 2
NS = 16
NW = NC * NS
NB = 4


def _build(B, V, D):
    assert B % (NW * L) == 0 and D % L == 0
    T = B // NW
    NVEC = T // L
    NR = T // CH + 2
    mesh = plsc.VectorSubcoreMesh(core_axis_name="c", subcore_axis_name="s")

    @functools.partial(
        pl.kernel,
        mesh=mesh,
        out_type=jax.ShapeDtypeStruct((B, D), jnp.float32),
        compiler_params=pltpu.CompilerParams(needs_layout_passes=False, use_tc_tiling_on_sc=False),
        scratch_types=[
            pltpu.VMEM((T,), jnp.int32),
            pltpu.VMEM((NR, CH), jnp.int32),
            pltpu.VMEM((NR, CH), jnp.int32),
            pltpu.VMEM((NR, CH), jnp.int32),
            pltpu.VMEM((NB * CH, D), jnp.float32),
            pltpu.VMEM((CH, D), jnp.float32),
        ] + [pltpu.SemaphoreType.DMA] * (2 * NB + 1),
    )
    def emb(ids_hbm, w_hbm, out_hbm, ids_v, inrow, indst, outdst, rowbuf,
            zbuf, *sems):
        semg = sems[:NB]
        sems_ = sems[NB:2 * NB]
        semz = sems[2 * NB]

        wid = lax.axis_index("s") * NC + lax.axis_index("c")
        base = wid * T
        pltpu.sync_copy(ids_hbm.at[pl.ds(base, T)], ids_v)

        def zrow(i, c):
            for j in range(D // L):
                zbuf[i, pl.ds(j * L, L)] = jnp.zeros((L,), jnp.float32)
            return c
        lax.fori_loop(0, CH, zrow, 0)

        lanes = lax.iota(jnp.int32, L)

        def compact(i, carry):
            nin, nout = carry
            ids16 = ids_v[pl.ds(i * L, L)]
            m = (ids16 >= 0) & (ids16 < V)
            mi = m.astype(jnp.int32)
            cs = jnp.cumsum(mi)
            s = jnp.sum(mi)
            pos = base + i * L + lanes
            pin = jnp.maximum(nin + cs - 1, 0)
            plsc.store_scatter(inrow, [pin >> SH, pin & (CH - 1)], ids16, mask=m)
            plsc.store_scatter(indst, [pin >> SH, pin & (CH - 1)], pos, mask=m)
            cso = jnp.cumsum(1 - mi)
            pout = jnp.maximum(nout + cso - 1, 0)
            plsc.store_scatter(outdst, [pout >> SH, pout & (CH - 1)], pos,
                               mask=jnp.logical_not(m))
            return nin + s, nout + (L - s)

        nin, nout = lax.fori_loop(0, NVEC, compact, (0, 0))

        def last_of(arr, n):
            q = jnp.full((L,), jnp.maximum(n - 1, 0), jnp.int32)
            return plsc.load_gather(arr, [q >> SH, q & (CH - 1)])

        def pad_tail(arr, n, val):
            for k in range(CH // L):
                p = n + k * L + lanes
                plsc.store_scatter(arr, [p >> SH, p & (CH - 1)], val)

        ncout = (nout + CH - 1) >> SH

        @pl.when(nout > 0)
        def _():
            pad_tail(outdst, nout, last_of(outdst, nout))

            def zfire(g, c):
                pltpu.async_copy(zbuf, out_hbm.at[outdst.at[g]], semz)
                return c
            lax.fori_loop(0, ncout, zfire, 0)

        @pl.when(nin > 0)
        def _():
            pad_tail(inrow, nin, last_of(inrow, nin))
            pad_tail(indst, nin, last_of(indst, nin))
            ncin = (nin + CH - 1) >> SH
            rounds = (ncin + NB - 1) // NB

            def round_body(r, c):
                for s in range(NB):
                    g = r * NB + s
                    buf = rowbuf.at[pl.ds(s * CH, CH)]

                    @pl.when(g < ncin)
                    def _():
                        @pl.when(r > 0)
                        def _():
                            pltpu.make_async_copy(
                                buf, out_hbm.at[indst.at[g]], sems_[s]).wait()
                        pltpu.async_copy(w_hbm.at[inrow.at[g]], buf, semg[s])
                for s in range(NB):
                    g = r * NB + s
                    buf = rowbuf.at[pl.ds(s * CH, CH)]

                    @pl.when(g < ncin)
                    def _():
                        pltpu.make_async_copy(
                            w_hbm.at[inrow.at[g]], buf, semg[s]).wait()
                        pltpu.async_copy(buf, out_hbm.at[indst.at[g]], sems_[s])
                return c
            lax.fori_loop(0, rounds, round_body, 0)

            for s in range(NB):
                @pl.when(s < ncin)
                def _():
                    pltpu.make_async_copy(
                        rowbuf.at[pl.ds(s * CH, CH)],
                        out_hbm.at[indst.at[0]], sems_[s]).wait()

        @pl.when(nout > 0)
        def _():
            def zdrain(g, c):
                pltpu.make_async_copy(zbuf, out_hbm.at[outdst.at[g]],
                                      semz).wait()
                return c
            lax.fori_loop(0, ncout, zdrain, 0)

    return emb


@jax.jit
def kernel(input_ids, weight):
    B = input_ids.size
    V, D = weight.shape
    ids_flat = input_ids.reshape(B)
    out = _build(B, V, D)(ids_flat, weight)
    return out.reshape(input_ids.shape + (D,))

# --- scband reference (transcript-rebuilt; emitter-appended) ---
"""Pipeline reference for scband-vocab-parallel-embedding-69011534512818 (READ-ONLY COPY).

The authoritative reference and input builder live on the scoring server;
editing this copy changes nothing except your own understanding.
"""

import jax, jax.numpy as jnp
import numpy as np

VOCAB_START = 0
VOCAB_END = 250000
GLOBAL_VOCAB = 1000000
EMBED_DIM = 64


def setup_inputs(seed: int = 0) -> dict:
    key = jax.random.key(seed)
    k1, k2 = jax.random.split(key)
    input_ids = jax.random.randint(k1, (4096, 50), 0, GLOBAL_VOCAB, dtype=jnp.int32)
    # local weight slice for this shard: rows [VOCAB_START, VOCAB_END)
    weight = jax.random.normal(k2, (VOCAB_END - VOCAB_START, EMBED_DIM), dtype=jnp.float32)
    return {"input_ids": input_ids, "weight": weight}


def reference(input_ids, weight):
    # mask tokens owned by this vocab shard
    mask = (input_ids >= VOCAB_START) & (input_ids < VOCAB_END)
    # shift to local index space; clamp out-of-range ids to 0 via mask multiply
    masked_input = (input_ids - VOCAB_START) * mask.astype(input_ids.dtype)
    # embedding gather
    embeddings = jnp.take(weight, masked_input, axis=0)
    # zero out rows not owned by this shard
    embeddings = embeddings * mask[..., None].astype(jnp.float32)
    # All_Reduce across the TP group: identity on a single shard reference
    return embeddings

if __name__ == "__main__":
    import jax
    _d = setup_inputs()
    print(jax.jit(kernel)(*tuple(_d.values())))

</pallas_src>

<mosaic_0001>
#map = affine_map<(d0, d1) -> (0)>
#map1 = affine_map<(d0, d1) -> (0, 0)>
module attributes {stable_mosaic.version = 14 : i64} {
  func.func @emb(%arg0: i32, %arg1: i32, %arg2: memref<204800xi32, #tpu.memory_space<hbm>>, %arg3: memref<250000x64xf32, #tpu.memory_space<hbm>>, %arg4: memref<204800x64xf32, #tpu.memory_space<hbm>>, %arg5: memref<6400xi32, #tpu.memory_space<vmem>>, %arg6: memref<52x128xi32, #tpu.memory_space<vmem>>, %arg7: memref<52x128xi32, #tpu.memory_space<vmem>>, %arg8: memref<52x128xi32, #tpu.memory_space<vmem>>, %arg9: memref<512x64xf32, #tpu.memory_space<vmem>>, %arg10: memref<128x64xf32, #tpu.memory_space<vmem>>, %arg11: memref<!tpu.dma_semaphore, #tpu.memory_space<semaphore_mem>>, %arg12: memref<!tpu.dma_semaphore, #tpu.memory_space<semaphore_mem>>, %arg13: memref<!tpu.dma_semaphore, #tpu.memory_space<semaphore_mem>>, %arg14: memref<!tpu.dma_semaphore, #tpu.memory_space<semaphore_mem>>, %arg15: memref<!tpu.dma_semaphore, #tpu.memory_space<semaphore_mem>>, %arg16: memref<!tpu.dma_semaphore, #tpu.memory_space<semaphore_mem>>, %arg17: memref<!tpu.dma_semaphore, #tpu.memory_space<semaphore_mem>>, %arg18: memref<!tpu.dma_semaphore, #tpu.memory_space<semaphore_mem>>, %arg19: memref<!tpu.dma_semaphore, #tpu.memory_space<semaphore_mem>>) attributes {dimension_semantics = [#tpu.dimension_semantics<core_parallel>, #tpu.dimension_semantics<subcore_parallel>], iteration_bounds = array<i64: 2, 16>, scalar_prefetch = 0 : i64, scratch_operands = 15 : i64, tpu.core_type = #tpu.core_type<sc_vector_subcore>, window_params = [{transform_indices = #map}, {transform_indices = #map1}, {transform_indices = #map1}]} {
    %mul3A = arith.constant 2 : i32
    %mul3A_0 = arith.muli %arg1, %mul3A : i32
    %add3A = arith.addi %mul3A_0, %arg0 : i32
    %mul3A_1 = arith.constant 6400 : i32
    %mul3A_2 = arith.muli %add3A, %mul3A_1 : i32
    "tpu.region"() ({
      %run_scoped3A = tpu.sem_alloc : memref<!tpu.dma_semaphore, #tpu.memory_space<semaphore_mem>>
      %dma_start3A = tpu.memref_slice %arg2[%mul3A_2] : memref<204800xi32, #tpu.memory_space<hbm>> -> memref<6400xi32, #tpu.memory_space<hbm>>
      %dma_start3A_32 = tpu.memref_slice %arg2[%mul3A_2] : memref<204800xi32, #tpu.memory_space<hbm>> -> memref<6400xi32, #tpu.memory_space<hbm>>
      tpu.enqueue_dma source(%dma_start3A_32 : memref<6400xi32, #tpu.memory_space<hbm>>) target(%arg5 : memref<6400xi32, #tpu.memory_space<vmem>>) target_semaphore(%run_scoped3A : memref<!tpu.dma_semaphore, #tpu.memory_space<semaphore_mem>>)
      %dma_wait3A = tpu.memref_slice %arg2[%mul3A_2] : memref<204800xi32, #tpu.memory_space<hbm>> -> memref<6400xi32, #tpu.memory_space<hbm>>
      %dma_wait3A_33 = tpu.memref_slice %arg2[%mul3A_2] : memref<204800xi32, #tpu.memory_space<hbm>> -> memref<6400xi32, #tpu.memory_space<hbm>>
      tpu.wait_dma2 semaphore(%run_scoped3A : memref<!tpu.dma_semaphore, #tpu.memory_space<semaphore_mem>>) src(%dma_wait3A_33 : memref<6400xi32, #tpu.memory_space<hbm>>) dst(%arg5 : memref<6400xi32, #tpu.memory_space<vmem>>)
      tpu.yield
    }) : () -> ()
    %scan3A = arith.constant 0 : i32
    %scan3A_3 = arith.constant 0 : i32
    %scan3A_4 = arith.constant 128 : i32
    %scan3A_5 = arith.addi %scan3A_3, %scan3A_4 : i32
    %scan3A_6 = arith.constant 1 : i32
    scf.for %scan3A_32 = %scan3A_3 to %scan3A_5 step %scan3A_6  : i32 {
      %broadcast_in_dim3A = arith.constant 0.000000e+00 : f32
      %broadcast_in_dim3A_33 = vector.broadcast %broadcast_in_dim3A : f32 to vector<16xf32>
      %swap3A = arith.index_cast %scan3A_32 : i32 to index
      %swap3A_34 = arith.constant 0 : index
      %swap3A_35 = tpu.vector_load %arg10[%swap3A, %swap3A_34] {strides = array<i32>} : memref<128x64xf32, #tpu.memory_space<vmem>>, vector<16xf32>,
      tpu.vector_store %arg10[%swap3A, %swap3A_34], %broadcast_in_dim3A_33 {strides = array<i32>} : memref<128x64xf32, #tpu.memory_space<vmem>>, vector<16xf32>,
      %broadcast_in_dim3A_36 = arith.constant 0.000000e+00 : f32
      %broadcast_in_dim3A_37 = vector.broadcast %broadcast_in_dim3A_36 : f32 to vector<16xf32>
      %swap3A_38 = arith.index_cast %scan3A_32 : i32 to index
      %swap3A_39 = arith.constant 16 : index
      %swap3A_40 = tpu.vector_load %arg10[%swap3A_38, %swap3A_39] {strides = array<i32>} : memref<128x64xf32, #tpu.memory_space<vmem>>, vector<16xf32>,
      tpu.vector_store %arg10[%swap3A_38, %swap3A_39], %broadcast_in_dim3A_37 {strides = array<i32>} : memref<128x64xf32, #tpu.memory_space<vmem>>, vector<16xf32>,
      %broadcast_in_dim3A_41 = arith.constant 0.000000e+00 : f32
      %broadcast_in_dim3A_42 = vector.broadcast %broadcast_in_dim3A_41 : f32 to vector<16xf32>
      %swap3A_43 = arith.index_cast %scan3A_32 : i32 to index
      %swap3A_44 = arith.constant 32 : index
      %swap3A_45 = tpu.vector_load %arg10[%swap3A_43, %swap3A_44] {strides = array<i32>} : memref<128x64xf32, #tpu.memory_space<vmem>>, vector<16xf32>,
      tpu.vector_store %arg10[%swap3A_43, %swap3A_44], %broadcast_in_dim3A_42 {strides = array<i32>} : memref<128x64xf32, #tpu.memory_space<vmem>>, vector<16xf32>,
      %broadcast_in_dim3A_46 = arith.constant 0.000000e+00 : f32
      %broadcast_in_dim3A_47 = vector.broadcast %broadcast_in_dim3A_46 : f32 to vector<16xf32>
      %swap3A_48 = arith.index_cast %scan3A_32 : i32 to index
      %swap3A_49 = arith.constant 48 : index
      %swap3A_50 = tpu.vector_load %arg10[%swap3A_48, %swap3A_49] {strides = array<i32>} : memref<128x64xf32, #tpu.memory_space<vmem>>, vector<16xf32>,
      tpu.vector_store %arg10[%swap3A_48, %swap3A_49], %broadcast_in_dim3A_47 {strides = array<i32>} : memref<128x64xf32, #tpu.memory_space<vmem>>, vector<16xf32>,
    }
    %scan3A_7 = arith.constant 128 : i32
    %iota3A = tpu.iota {dimensions = array<i32: 0>} : vector<16xi32>
    %scan3A_8 = arith.constant 0 : i32
    %scan3A_9 = arith.constant 0 : i32
    %scan3A_10 = arith.constant 0 : i32
    %scan3A_11 = arith.constant 400 : i32
    %scan3A_12 = arith.addi %scan3A_10, %scan3A_11 : i32
    %scan3A_13 = arith.constant 1 : i32
    %scan3A_14:2 = scf.for %scan3A_32 = %scan3A_10 to %scan3A_12 step %scan3A_13 iter_args(%scan3A_33 = %scan3A_8, %scan3A_34 = %scan3A_9) -> (i32, i32)  : i32 {
      %mul3A_35 = arith.constant 16 : i32
      %mul3A_36 = arith.muli %scan3A_32, %mul3A_35 : i32
      %get3A = arith.index_cast %mul3A_36 : i32 to index
      %get3A_37 = tpu.vector_load %arg5[%get3A] {strides = array<i32>} : memref<6400xi32, #tpu.memory_space<vmem>>, vector<16xi32>,
      %ge3A = arith.constant 0 : i32
      %ge3A_38 = vector.broadcast %ge3A : i32 to vector<16xi32>
      %ge3A_39 = arith.cmpi sge, %get3A_37, %ge3A_38 : vector<16xi32>
      %lt3A = arith.constant 250000 : i32
      %lt3A_40 = vector.broadcast %lt3A : i32 to vector<16xi32>
      %lt3A_41 = arith.cmpi slt, %get3A_37, %lt3A_40 : vector<16xi32>
      %and3A = arith.andi %ge3A_39, %lt3A_41 : vector<16xi1>
      %convert_element_type3A_42 = arith.extui %and3A : vector<16xi1> to vector<16xi32>
      %cumsum3A = arith.constant true
      %cumsum3A_43 = vector.broadcast %cumsum3A : i1 to vector<16xi1>
      %cumsum3A_44 = tpu.scan <sum>, %convert_element_type3A_42 masked %cumsum3A_43 : vector<16xi32>, vector<16xi1> -> vector<16xi32>
      %reduce_sum3A = arith.constant true
      %reduce_sum3A_45 = vector.broadcast %reduce_sum3A : i1 to vector<16xi1>
      %reduce_sum3A_46 = tpu.scan <sum>, %convert_element_type3A_42 masked %reduce_sum3A_45 : vector<16xi32>, vector<16xi1> -> vector<16xi32>
      %reduce_sum3A_47 = vector.extract %reduce_sum3A_46[15] : i32 from vector<16xi32>
      %mul3A_48 = arith.constant 16 : i32
      %mul3A_49 = arith.muli %scan3A_32, %mul3A_48 : i32
      %add3A_50 = arith.addi %mul3A_2, %mul3A_49 : i32
      %add3A_51 = vector.broadcast %add3A_50 : i32 to vector<16xi32>
      %add3A_52 = arith.addi %add3A_51, %iota3A : vector<16xi32>
      %add3A_53 = vector.broadcast %scan3A_33 : i32 to vector<16xi32>
      %add3A_54 = arith.addi %add3A_53, %cumsum3A_44 : vector<16xi32>
      %sub3A_55 = arith.constant 1 : i32
      %sub3A_56 = vector.broadcast %sub3A_55 : i32 to vector<16xi32>
      %sub3A_57 = arith.subi %add3A_54, %sub3A_56 : vector<16xi32>
      %max3A = arith.constant 0 : i32
      %max3A_58 = vector.broadcast %max3A : i32 to vector<16xi32>
      %max3A_59 = arith.maxsi %sub3A_57, %max3A_58 : vector<16xi32>
      %shift_right_arithmetic3A_60 = arith.constant 7 : i32
      %shift_right_arithmetic3A_61 = vector.broadcast %shift_right_arithmetic3A_60 : i32 to vector<16xi32>
      %shift_right_arithmetic3A_62 = arith.shrsi %max3A_59, %shift_right_arithmetic3A_61 : vector<16xi32>
      %and3A_63 = arith.constant 127 : i32
      %and3A_64 = vector.broadcast %and3A_63 : i32 to vector<16xi32>
      %and3A_65 = arith.andi %max3A_59, %and3A_64 : vector<16xi32>
      tpu.vector_store_idx %arg6[%shift_right_arithmetic3A_62, %and3A_65], %get3A_37 masked %and3A : memref<52x128xi32, #tpu.memory_space<vmem>>[vector<16xi32>, vector<16xi32>], vector<16xi32>, vector<16xi1>
      %shift_right_arithmetic3A_66 = arith.constant 7 : i32
      %shift_right_arithmetic3A_67 = vector.broadcast %shift_right_arithmetic3A_66 : i32 to vector<16xi32>
      %shift_right_arithmetic3A_68 = arith.shrsi %max3A_59, %shift_right_arithmetic3A_67 : vector<16xi32>
      %and3A_69 = arith.constant 127 : i32
      %and3A_70 = vector.broadcast %and3A_69 : i32 to vector<16xi32>
      %and3A_71 = arith.andi %max3A_59, %and3A_70 : vector<16xi32>
      tpu.vector_store_idx %arg7[%shift_right_arithmetic3A_68, %and3A_71], %add3A_52 masked %and3A : memref<52x128xi32, #tpu.memory_space<vmem>>[vector<16xi32>, vector<16xi32>], vector<16xi32>, vector<16xi1>
      %sub3A_72 = arith.constant 1 : i32
      %sub3A_73 = vector.broadcast %sub3A_72 : i32 to vector<16xi32>
      %sub3A_74 = arith.subi %sub3A_73, %convert_element_type3A_42 : vector<16xi32>
      %cumsum3A_75 = arith.constant true
      %cumsum3A_76 = vector.broadcast %cumsum3A_75 : i1 to vector<16xi1>
      %cumsum3A_77 = tpu.scan <sum>, %sub3A_74 masked %cumsum3A_76 : vector<16xi32>, vector<16xi1> -> vector<16xi32>
      %add3A_78 = vector.broadcast %scan3A_34 : i32 to vector<16xi32>
      %add3A_79 = arith.addi %add3A_78, %cumsum3A_77 : vector<16xi32>
      %sub3A_80 = arith.constant 1 : i32
      %sub3A_81 = vector.broadcast %sub3A_80 : i32 to vector<16xi32>
      %sub3A_82 = arith.subi %add3A_79, %sub3A_81 : vector<16xi32>
      %max3A_83 = arith.constant 0 : i32
      %max3A_84 = vector.broadcast %max3A_83 : i32 to vector<16xi32>
      %max3A_85 = arith.maxsi %sub3A_82, %max3A_84 : vector<16xi32>
      %shift_right_arithmetic3A_86 = arith.constant 7 : i32
      %shift_right_arithmetic3A_87 = vector.broadcast %shift_right_arithmetic3A_86 : i32 to vector<16xi32>
      %shift_right_arithmetic3A_88 = arith.shrsi %max3A_85, %shift_right_arithmetic3A_87 : vector<16xi32>
      %and3A_89 = arith.constant 127 : i32
      %and3A_90 = vector.broadcast %and3A_89 : i32 to vector<16xi32>
      %and3A_91 = arith.andi %max3A_85, %and3A_90 : vector<16xi32>
      %not3A = arith.constant dense<true> : vector<16xi1>
      %not3A_92 = arith.xori %and3A, %not3A : vector<16xi1>
      tpu.vector_store_idx %arg8[%shift_right_arithmetic3A_88, %and3A_91], %add3A_52 masked %not3A_92 : memref<52x128xi32, #tpu.memory_space<vmem>>[vector<16xi32>, vector<16xi32>], vector<16xi32>, vector<16xi1>
      %add3A_93 = arith.addi %scan3A_33, %reduce_sum3A_47 : i32
      %sub3A_94 = arith.constant 16 : i32
      %sub3A_95 = arith.subi %sub3A_94, %reduce_sum3A_47 : i32
      %add3A_96 = arith.addi %scan3A_34, %sub3A_95 : i32
      scf.yield %add3A_93, %add3A_96 : i32, i32
    }
    %scan3A_15 = arith.constant 400 : i32
    %add3A_16 = arith.constant 128 : i32
    %add3A_17 = arith.addi %scan3A_14#1, %add3A_16 : i32
    %sub3A = arith.constant 1 : i32
    %sub3A_18 = arith.subi %add3A_17, %sub3A : i32
    %shift_right_arithmetic3A = arith.constant 7 : i32
    %shift_right_arithmetic3A_19 = arith.shrsi %sub3A_18, %shift_right_arithmetic3A : i32
    %gt3A = arith.constant 0 : i32
    %gt3A_20 = arith.cmpi sgt, %scan3A_14#1, %gt3A : i32
    %convert_element_type3A = arith.extui %gt3A_20 : i1 to i32
    %cond3A = arith.constant 0 : i32
    %cond3A_21 = arith.cmpi ne, %convert_element_type3A, %cond3A : i32
    scf.if %cond3A_21 {
      %sub3A_32 = arith.constant 1 : i32
      %sub3A_33 = arith.subi %scan3A_14#1, %sub3A_32 : i32
      %max3A = arith.constant 0 : i32
      %max3A_34 = arith.maxsi %sub3A_33, %max3A : i32
      %broadcast_in_dim3A = vector.broadcast %max3A_34 : i32 to vector<16xi32>
      %shift_right_arithmetic3A_35 = arith.constant 7 : i32
      %shift_right_arithmetic3A_36 = vector.broadcast %shift_right_arithmetic3A_35 : i32 to vector<16xi32>
      %shift_right_arithmetic3A_37 = arith.shrsi %broadcast_in_dim3A, %shift_right_arithmetic3A_36 : vector<16xi32>
      %and3A = arith.constant 127 : i32
      %and3A_38 = vector.broadcast %and3A : i32 to vector<16xi32>
      %and3A_39 = arith.andi %broadcast_in_dim3A, %and3A_38 : vector<16xi32>
      %gather3A = tpu.vector_load_idx %arg8[%shift_right_arithmetic3A_37, %and3A_39] : memref<52x128xi32, #tpu.memory_space<vmem>>[vector<16xi32>, vector<16xi32>], vector<16xi32>,
      %add3A_40 = arith.constant 0 : i32
      %add3A_41 = arith.addi %scan3A_14#1, %add3A_40 : i32
      %add3A_42 = vector.broadcast %add3A_41 : i32 to vector<16xi32>
      %add3A_43 = arith.addi %add3A_42, %iota3A : vector<16xi32>
      %shift_right_arithmetic3A_44 = arith.constant 7 : i32
      %shift_right_arithmetic3A_45 = vector.broadcast %shift_right_arithmetic3A_44 : i32 to vector<16xi32>
      %shift_right_arithmetic3A_46 = arith.shrsi %add3A_43, %shift_right_arithmetic3A_45 : vector<16xi32>
      %and3A_47 = arith.constant 127 : i32
      %and3A_48 = vector.broadcast %and3A_47 : i32 to vector<16xi32>
      %and3A_49 = arith.andi %add3A_43, %and3A_48 : vector<16xi32>
      tpu.vector_store_idx %arg8[%shift_right_arithmetic3A_46, %and3A_49], %gather3A : memref<52x128xi32, #tpu.memory_space<vmem>>[vector<16xi32>, vector<16xi32>], vector<16xi32>,
      %add3A_50 = arith.constant 16 : i32
      %add3A_51 = arith.addi %scan3A_14#1, %add3A_50 : i32
      %add3A_52 = vector.broadcast %add3A_51 : i32 to vector<16xi32>
      %add3A_53 = arith.addi %add3A_52, %iota3A : vector<16xi32>
      %shift_right_arithmetic3A_54 = arith.constant 7 : i32
      %shift_right_arithmetic3A_55 = vector.broadcast %shift_right_arithmetic3A_54 : i32 to vector<16xi32>
      %shift_right_arithmetic3A_56 = arith.shrsi %add3A_53, %shift_right_arithmetic3A_55 : vector<16xi32>
      %and3A_57 = arith.constant 127 : i32
      %and3A_58 = vector.broadcast %and3A_57 : i32 to vector<16xi32>
      %and3A_59 = arith.andi %add3A_53, %and3A_58 : vector<16xi32>
      tpu.vector_store_idx %arg8[%shift_right_arithmetic3A_56, %and3A_59], %gather3A : memref<52x128xi32, #tpu.memory_space<vmem>>[vector<16xi32>, vector<16xi32>], vector<16xi32>,
      %add3A_60 = arith.constant 32 : i32
      %add3A_61 = arith.addi %scan3A_14#1, %add3A_60 : i32
      %add3A_62 = vector.broadcast %add3A_61 : i32 to vector<16xi32>
      %add3A_63 = arith.addi %add3A_62, %iota3A : vector<16xi32>
      %shift_right_arithmetic3A_64 = arith.constant 7 : i32
      %shift_right_arithmetic3A_65 = vector.broadcast %shift_right_arithmetic3A_64 : i32 to vector<16xi32>
      %shift_right_arithmetic3A_66 = arith.shrsi %add3A_63, %shift_right_arithmetic3A_65 : vector<16xi32>
      %and3A_67 = arith.constant 127 : i32
      %and3A_68 = vector.broadcast %and3A_67 : i32 to vector<16xi32>
      %and3A_69 = arith.andi %add3A_63, %and3A_68 : vector<16xi32>
      tpu.vector_store_idx %arg8[%shift_right_arithmetic3A_66, %and3A_69], %gather3A : memref<52x128xi32, #tpu.memory_space<vmem>>[vector<16xi32>, vector<16xi32>], vector<16xi32>,
      %add3A_70 = arith.constant 48 : i32
      %add3A_71 = arith.addi %scan3A_14#1, %add3A_70 : i32
      %add3A_72 = vector.broadcast %add3A_71 : i32 to vector<16xi32>
      %add3A_73 = arith.addi %add3A_72, %iota3A : vector<16xi32>
      %shift_right_arithmetic3A_74 = arith.constant 7 : i32
      %shift_right_arithmetic3A_75 = vector.broadcast %shift_right_arithmetic3A_74 : i32 to vector<16xi32>
      %shift_right_arithmetic3A_76 = arith.shrsi %add3A_73, %shift_right_arithmetic3A_75 : vector<16xi32>
      %and3A_77 = arith.constant 127 : i32
      %and3A_78 = vector.broadcast %and3A_77 : i32 to vector<16xi32>
      %and3A_79 = arith.andi %add3A_73, %and3A_78 : vector<16xi32>
      tpu.vector_store_idx %arg8[%shift_right_arithmetic3A_76, %and3A_79], %gather3A : memref<52x128xi32, #tpu.memory_space<vmem>>[vector<16xi32>, vector<16xi32>], vector<16xi32>,
      %add3A_80 = arith.constant 64 : i32
      %add3A_81 = arith.addi %scan3A_14#1, %add3A_80 : i32
      %add3A_82 = vector.broadcast %add3A_81 : i32 to vector<16xi32>
      %add3A_83 = arith.addi %add3A_82, %iota3A : vector<16xi32>
      %shift_right_arithmetic3A_84 = arith.constant 7 : i32
      %shift_right_arithmetic3A_85 = vector.broadcast %shift_right_arithmetic3A_84 : i32 to vector<16xi32>
      %shift_right_arithmetic3A_86 = arith.shrsi %add3A_83, %shift_right_arithmetic3A_85 : vector<16xi32>
      %and3A_87 = arith.constant 127 : i32
      %and3A_88 = vector.broadcast %and3A_87 : i32 to vector<16xi32>
      %and3A_89 = arith.andi %add3A_83, %and3A_88 : vector<16xi32>
      tpu.vector_store_idx %arg8[%shift_right_arithmetic3A_86, %and3A_89], %gather3A : memref<52x128xi32, #tpu.memory_space<vmem>>[vector<16xi32>, vector<16xi32>], vector<16xi32>,
      %add3A_90 = arith.constant 80 : i32
      %add3A_91 = arith.addi %scan3A_14#1, %add3A_90 : i32
      %add3A_92 = vector.broadcast %add3A_91 : i32 to vector<16xi32>
      %add3A_93 = arith.addi %add3A_92, %iota3A : vector<16xi32>
      %shift_right_arithmetic3A_94 = arith.constant 7 : i32
      %shift_right_arithmetic3A_95 = vector.broadcast %shift_right_arithmetic3A_94 : i32 to vector<16xi32>
      %shift_right_arithmetic3A_96 = arith.shrsi %add3A_93, %shift_right_arithmetic3A_95 : vector<16xi32>
      %and3A_97 = arith.constant 127 : i32
      %and3A_98 = vector.broadcast %and3A_97 : i32 to vector<16xi32>
      %and3A_99 = arith.andi %add3A_93, %and3A_98 : vector<16xi32>
      tpu.vector_store_idx %arg8[%shift_right_arithmetic3A_96, %and3A_99], %gather3A : memref<52x128xi32, #tpu.memory_space<vmem>>[vector<16xi32>, vector<16xi32>], vector<16xi32>,
      %add3A_100 = arith.constant 96 : i32
      %add3A_101 = arith.addi %scan3A_14#1, %add3A_100 : i32
      %add3A_102 = vector.broadcast %add3A_101 : i32 to vector<16xi32>
      %add3A_103 = arith.addi %add3A_102, %iota3A : vector<16xi32>
      %shift_right_arithmetic3A_104 = arith.constant 7 : i32
      %shift_right_arithmetic3A_105 = vector.broadcast %shift_right_arithmetic3A_104 : i32 to vector<16xi32>
      %shift_right_arithmetic3A_106 = arith.shrsi %add3A_103, %shift_right_arithmetic3A_105 : vector<16xi32>
      %and3A_107 = arith.constant 127 : i32
      %and3A_108 = vector.broadcast %and3A_107 : i32 to vector<16xi32>
      %and3A_109 = arith.andi %add3A_103, %and3A_108 : vector<16xi32>
      tpu.vector_store_idx %arg8[%shift_right_arithmetic3A_106, %and3A_109], %gather3A : memref<52x128xi32, #tpu.memory_space<vmem>>[vector<16xi32>, vector<16xi32>], vector<16xi32>,
      %add3A_110 = arith.constant 112 : i32
      %add3A_111 = arith.addi %scan3A_14#1, %add3A_110 : i32
      %add3A_112 = vector.broadcast %add3A_111 : i32 to vector<16xi32>
      %add3A_113 = arith.addi %add3A_112, %iota3A : vector<16xi32>
      %shift_right_arithmetic3A_114 = arith.constant 7 : i32
      %shift_right_arithmetic3A_115 = vector.broadcast %shift_right_arithmetic3A_114 : i32 to vector<16xi32>
      %shift_right_arithmetic3A_116 = arith.shrsi %add3A_113, %shift_right_arithmetic3A_115 : vector<16xi32>
      %and3A_117 = arith.constant 127 : i32
      %and3A_118 = vector.broadcast %and3A_117 : i32 to vector<16xi32>
      %and3A_119 = arith.andi %add3A_113, %and3A_118 : vector<16xi32>
      tpu.vector_store_idx %arg8[%shift_right_arithmetic3A_116, %and3A_119], %gather3A : memref<52x128xi32, #tpu.memory_space<vmem>>[vector<16xi32>, vector<16xi32>], vector<16xi32>,
      %while3A = arith.constant 0 : i32
      %while3A_120 = arith.constant 0 : i32
      %while3A_121 = arith.subi %shift_right_arithmetic3A_19, %while3A_120 : i32
      %while3A_122 = arith.addi %while3A_120, %while3A_121 : i32
      %while3A_123 = arith.constant 1 : i32
      %while3A_124 = arith.divsi %while3A_121, %while3A_123 : i32
      %while3A_125 = arith.muli %while3A_124, %while3A_123 : i32
      %while3A_126 = arith.addi %while3A_120, %while3A_125 : i32
      %while3A_127 = arith.constant 1 : i32
      scf.for %while3A_129 = %while3A_120 to %while3A_126 step %while3A_127  : i32 {
        %dma_start3A = arith.constant 0 : i32
        %dma_start3A_130 = tpu.memref_slice %arg8[%while3A_129, %dma_start3A] : memref<52x128xi32, #tpu.memory_space<vmem>> -> memref<1x128xi32, #tpu.memory_space<vmem>>
        %dma_start3A_131 = tpu.memref_squeeze %dma_start3A_130 : memref<1x128xi32, #tpu.memory_space<vmem>> -> memref<128xi32, #tpu.memory_space<vmem>>
        %dma_start3A_132 = arith.constant 0 : i32
        %dma_start3A_133 = arith.constant 0 : i32
        %dma_start3A_134 = tpu.memref_slice %arg4[%dma_start3A_132, %dma_start3A_133] : memref<204800x64xf32, #tpu.memory_space<hbm>> -> memref<204800x64xf32, #tpu.memory_space<hbm>>
        tpu.enqueue_indirect_dma source(%arg10 : memref<128x64xf32, #tpu.memory_space<vmem>>) target(%dma_start3A_134 : memref<204800x64xf32, #tpu.memory_space<hbm>>) offsets(%dma_start3A_131 : memref<128xi32, #tpu.memory_space<vmem>>) semaphore(%arg19 : memref<!tpu.dma_semaphore, #tpu.memory_space<semaphore_mem>>)
      }
      %while3A_128 = arith.constant 1 : i32
      scf.for %while3A_129 = %while3A_126 to %while3A_122 step %while3A_128  : i32 {
        %dma_start3A = arith.constant 0 : i32
        %dma_start3A_130 = tpu.memref_slice %arg8[%while3A_129, %dma_start3A] : memref<52x128xi32, #tpu.memory_space<vmem>> -> memref<1x128xi32, #tpu.memory_space<vmem>>
        %dma_start3A_131 = tpu.memref_squeeze %dma_start3A_130 : memref<1x128xi32, #tpu.memory_space<vmem>> -> memref<128xi32, #tpu.memory_space<vmem>>
        %dma_start3A_132 = arith.constant 0 : i32
        %dma_start3A_133 = arith.constant 0 : i32
        %dma_start3A_134 = tpu.memref_slice %arg4[%dma_start3A_132, %dma_start3A_133] : memref<204800x64xf32, #tpu.memory_space<hbm>> -> memref<204800x64xf32, #tpu.memory_space<hbm>>
        tpu.enqueue_indirect_dma source(%arg10 : memref<128x64xf32, #tpu.memory_space<vmem>>) target(%dma_start3A_134 : memref<204800x64xf32, #tpu.memory_space<hbm>>) offsets(%dma_start3A_131 : memref<128xi32, #tpu.memory_space<vmem>>) semaphore(%arg19 : memref<!tpu.dma_semaphore, #tpu.memory_space<semaphore_mem>>)
      }
    } else {
    }
    %gt3A_22 = arith.constant 0 : i32
    %gt3A_23 = arith.cmpi sgt, %scan3A_14#0, %gt3A_22 : i32
    %convert_element_type3A_24 = arith.extui %gt3A_23 : i1 to i32
    %cond3A_25 = arith.constant 0 : i32
    %cond3A_26 = arith.cmpi ne, %convert_element_type3A_24, %cond3A_25 : i32
    scf.if %cond3A_26 {
      %sub3A_32 = arith.constant 1 : i32
      %sub3A_33 = arith.subi %scan3A_14#0, %sub3A_32 : i32
      %max3A = arith.constant 0 : i32
      %max3A_34 = arith.maxsi %sub3A_33, %max3A : i32
      %broadcast_in_dim3A = vector.broadcast %max3A_34 : i32 to vector<16xi32>
      %shift_right_arithmetic3A_35 = arith.constant 7 : i32
      %shift_right_arithmetic3A_36 = vector.broadcast %shift_right_arithmetic3A_35 : i32 to vector<16xi32>
      %shift_right_arithmetic3A_37 = arith.shrsi %broadcast_in_dim3A, %shift_right_arithmetic3A_36 : vector<16xi32>
      %and3A = arith.constant 127 : i32
      %and3A_38 = vector.broadcast %and3A : i32 to vector<16xi32>
      %and3A_39 = arith.andi %broadcast_in_dim3A, %and3A_38 : vector<16xi32>
      %gather3A = tpu.vector_load_idx %arg6[%shift_right_arithmetic3A_37, %and3A_39] : memref<52x128xi32, #tpu.memory_space<vmem>>[vector<16xi32>, vector<16xi32>], vector<16xi32>,
      %add3A_40 = arith.constant 0 : i32
      %add3A_41 = arith.addi %scan3A_14#0, %add3A_40 : i32
      %add3A_42 = vector.broadcast %add3A_41 : i32 to vector<16xi32>
      %add3A_43 = arith.addi %add3A_42, %iota3A : vector<16xi32>
      %shift_right_arithmetic3A_44 = arith.constant 7 : i32
      %shift_right_arithmetic3A_45 = vector.broadcast %shift_right_arithmetic3A_44 : i32 to vector<16xi32>
      %shift_right_arithmetic3A_46 = arith.shrsi %add3A_43, %shift_right_arithmetic3A_45 : vector<16xi32>
      %and3A_47 = arith.constant 127 : i32
      %and3A_48 = vector.broadcast %and3A_47 : i32 to vector<16xi32>
      %and3A_49 = arith.andi %add3A_43, %and3A_48 : vector<16xi32>
      tpu.vector_store_idx %arg6[%shift_right_arithmetic3A_46, %and3A_49], %gather3A : memref<52x128xi32, #tpu.memory_space<vmem>>[vector<16xi32>, vector<16xi32>], vector<16xi32>,
      %add3A_50 = arith.constant 16 : i32
      %add3A_51 = arith.addi %scan3A_14#0, %add3A_50 : i32
      %add3A_52 = vector.broadcast %add3A_51 : i32 to vector<16xi32>
      %add3A_53 = arith.addi %add3A_52, %iota3A : vector<16xi32>
      %shift_right_arithmetic3A_54 = arith.constant 7 : i32
      %shift_right_arithmetic3A_55 = vector.broadcast %shift_right_arithmetic3A_54 : i32 to vector<16xi32>
      %shift_right_arithmetic3A_56 = arith.shrsi %add3A_53, %shift_right_arithmetic3A_55 : vector<16xi32>
      %and3A_57 = arith.constant 127 : i32
      %and3A_58 = vector.broadcast %and3A_57 : i32 to vector<16xi32>
      %and3A_59 = arith.andi %add3A_53, %and3A_58 : vector<16xi32>
      tpu.vector_store_idx %arg6[%shift_right_arithmetic3A_56, %and3A_59], %gather3A : memref<52x128xi32, #tpu.memory_space<vmem>>[vector<16xi32>, vector<16xi32>], vector<16xi32>,
      %add3A_60 = arith.constant 32 : i32
      %add3A_61 = arith.addi %scan3A_14#0, %add3A_60 : i32
      %add3A_62 = vector.broadcast %add3A_61 : i32 to vector<16xi32>
      %add3A_63 = arith.addi %add3A_62, %iota3A : vector<16xi32>
      %shift_right_arithmetic3A_64 = arith.constant 7 : i32
      %shift_right_arithmetic3A_65 = vector.broadcast %shift_right_arithmetic3A_64 : i32 to vector<16xi32>
      %shift_right_arithmetic3A_66 = arith.shrsi %add3A_63, %shift_right_arithmetic3A_65 : vector<16xi32>
      %and3A_67 = arith.constant 127 : i32
      %and3A_68 = vector.broadcast %and3A_67 : i32 to vector<16xi32>
      %and3A_69 = arith.andi %add3A_63, %and3A_68 : vector<16xi32>
      tpu.vector_store_idx %arg6[%shift_right_arithmetic3A_66, %and3A_69], %gather3A : memref<52x128xi32, #tpu.memory_space<vmem>>[vector<16xi32>, vector<16xi32>], vector<16xi32>,
      %add3A_70 = arith.constant 48 : i32
      %add3A_71 = arith.addi %scan3A_14#0, %add3A_70 : i32
      %add3A_72 = vector.broadcast %add3A_71 : i32 to vector<16xi32>
      %add3A_73 = arith.addi %add3A_72, %iota3A : vector<16xi32>
      %shift_right_arithmetic3A_74 = arith.constant 7 : i32
      %shift_right_arithmetic3A_75 = vector.broadcast %shift_right_arithmetic3A_74 : i32 to vector<16xi32>
      %shift_right_arithmetic3A_76 = arith.shrsi %add3A_73, %shift_right_arithmetic3A_75 : vector<16xi32>
      %and3A_77 = arith.constant 127 : i32
      %and3A_78 = vector.broadcast %and3A_77 : i32 to vector<16xi32>
      %and3A_79 = arith.andi %add3A_73, %and3A_78 : vector<16xi32>
      tpu.vector_store_idx %arg6[%shift_right_arithmetic3A_76, %and3A_79], %gather3A : memref<52x128xi32, #tpu.memory_space<vmem>>[vector<16xi32>, vector<16xi32>], vector<16xi32>,
      %add3A_80 = arith.constant 64 : i32
      %add3A_81 = arith.addi %scan3A_14#0, %add3A_80 : i32
      %add3A_82 = vector.broadcast %add3A_81 : i32 to vector<16xi32>
      %add3A_83 = arith.addi %add3A_82, %iota3A : vector<16xi32>
      %shift_right_arithmetic3A_84 = arith.constant 7 : i32
      %shift_right_arithmetic3A_85 = vector.broadcast %shift_right_arithmetic3A_84 : i32 to vector<16xi32>
      %shift_right_arithmetic3A_86 = arith.shrsi %add3A_83, %shift_right_arithmetic3A_85 : vector<16xi32>
      %and3A_87 = arith.constant 127 : i32
      %and3A_88 = vector.broadcast %and3A_87 : i32 to vector<16xi32>
      %and3A_89 = arith.andi %add3A_83, %and3A_88 : vector<16xi32>
      tpu.vector_store_idx %arg6[%shift_right_arithmetic3A_86, %and3A_89], %gather3A : memref<52x128xi32, #tpu.memory_space<vmem>>[vector<16xi32>, vector<16xi32>], vector<16xi32>,
      %add3A_90 = arith.constant 80 : i32
      %add3A_91 = arith.addi %scan3A_14#0, %add3A_90 : i32
      %add3A_92 = vector.broadcast %add3A_91 : i32 to vector<16xi32>
      %add3A_93 = arith.addi %add3A_92, %iota3A : vector<16xi32>
      %shift_right_arithmetic3A_94 = arith.constant 7 : i32
      %shift_right_arithmetic3A_95 = vector.broadcast %shift_right_arithmetic3A_94 : i32 to vector<16xi32>
      %shift_right_arithmetic3A_96 = arith.shrsi %add3A_93, %shift_right_arithmetic3A_95 : vector<16xi32>
      %and3A_97 = arith.constant 127 : i32
      %and3A_98 = vector.broadcast %and3A_97 : i32 to vector<16xi32>
      %and3A_99 = arith.andi %add3A_93, %and3A_98 : vector<16xi32>
      tpu.vector_store_idx %arg6[%shift_right_arithmetic3A_96, %and3A_99], %gather3A : memref<52x128xi32, #tpu.memory_space<vmem>>[vector<16xi32>, vector<16xi32>], vector<16xi32>,
      %add3A_100 = arith.constant 96 : i32
      %add3A_101 = arith.addi %scan3A_14#0, %add3A_100 : i32
      %add3A_102 = vector.broadcast %add3A_101 : i32 to vector<16xi32>
      %add3A_103 = arith.addi %add3A_102, %iota3A : vector<16xi32>
      %shift_right_arithmetic3A_104 = arith.constant 7 : i32
      %shift_right_arithmetic3A_105 = vector.broadcast %shift_right_arithmetic3A_104 : i32 to vector<16xi32>
      %shift_right_arithmetic3A_106 = arith.shrsi %add3A_103, %shift_right_arithmetic3A_105 : vector<16xi32>
      %and3A_107 = arith.constant 127 : i32
      %and3A_108 = vector.broadcast %and3A_107 : i32 to vector<16xi32>
      %and3A_109 = arith.andi %add3A_103, %and3A_108 : vector<16xi32>
      tpu.vector_store_idx %arg6[%shift_right_arithmetic3A_106, %and3A_109], %gather3A : memref<52x128xi32, #tpu.memory_space<vmem>>[vector<16xi32>, vector<16xi32>], vector<16xi32>,
      %add3A_110 = arith.constant 112 : i32
      %add3A_111 = arith.addi %scan3A_14#0, %add3A_110 : i32
      %add3A_112 = vector.broadcast %add3A_111 : i32 to vector<16xi32>
      %add3A_113 = arith.addi %add3A_112, %iota3A : vector<16xi32>
      %shift_right_arithmetic3A_114 = arith.constant 7 : i32
      %shift_right_arithmetic3A_115 = vector.broadcast %shift_right_arithmetic3A_114 : i32 to vector<16xi32>
      %shift_right_arithmetic3A_116 = arith.shrsi %add3A_113, %shift_right_arithmetic3A_115 : vector<16xi32>
      %and3A_117 = arith.constant 127 : i32
      %and3A_118 = vector.broadcast %and3A_117 : i32 to vector<16xi32>
      %and3A_119 = arith.andi %add3A_113, %and3A_118 : vector<16xi32>
      tpu.vector_store_idx %arg6[%shift_right_arithmetic3A_116, %and3A_119], %gather3A : memref<52x128xi32, #tpu.memory_space<vmem>>[vector<16xi32>, vector<16xi32>], vector<16xi32>,
      %sub3A_120 = arith.constant 1 : i32
      %sub3A_121 = arith.subi %scan3A_14#0, %sub3A_120 : i32
      %max3A_122 = arith.constant 0 : i32
      %max3A_123 = arith.maxsi %sub3A_121, %max3A_122 : i32
      %broadcast_in_dim3A_124 = vector.broadcast %max3A_123 : i32 to vector<16xi32>
      %shift_right_arithmetic3A_125 = arith.constant 7 : i32
      %shift_right_arithmetic3A_126 = vector.broadcast %shift_right_arithmetic3A_125 : i32 to vector<16xi32>
      %shift_right_arithmetic3A_127 = arith.shrsi %broadcast_in_dim3A_124, %shift_right_arithmetic3A_126 : vector<16xi32>
      %and3A_128 = arith.constant 127 : i32
      %and3A_129 = vector.broadcast %and3A_128 : i32 to vector<16xi32>
      %and3A_130 = arith.andi %broadcast_in_dim3A_124, %and3A_129 : vector<16xi32>
      %gather3A_131 = tpu.vector_load_idx %arg7[%shift_right_arithmetic3A_127, %and3A_130] : memref<52x128xi32, #tpu.memory_space<vmem>>[vector<16xi32>, vector<16xi32>], vector<16xi32>,
      %add3A_132 = arith.constant 0 : i32
      %add3A_133 = arith.addi %scan3A_14#0, %add3A_132 : i32
      %add3A_134 = vector.broadcast %add3A_133 : i32 to vector<16xi32>
      %add3A_135 = arith.addi %add3A_134, %iota3A : vector<16xi32>
      %shift_right_arithmetic3A_136 = arith.constant 7 : i32
      %shift_right_arithmetic3A_137 = vector.broadcast %shift_right_arithmetic3A_136 : i32 to vector<16xi32>
      %shift_right_arithmetic3A_138 = arith.shrsi %add3A_135, %shift_right_arithmetic3A_137 : vector<16xi32>
      %and3A_139 = arith.constant 127 : i32
      %and3A_140 = vector.broadcast %and3A_139 : i32 to vector<16xi32>
      %and3A_141 = arith.andi %add3A_135, %and3A_140 : vector<16xi32>
      tpu.vector_store_idx %arg7[%shift_right_arithmetic3A_138, %and3A_141], %gather3A_131 : memref<52x128xi32, #tpu.memory_space<vmem>>[vector<16xi32>, vector<16xi32>], vector<16xi32>,
      %add3A_142 = arith.constant 16 : i32
      %add3A_143 = arith.addi %scan3A_14#0, %add3A_142 : i32
      %add3A_144 = vector.broadcast %add3A_143 : i32 to vector<16xi32>
      %add3A_145 = arith.addi %add3A_144, %iota3A : vector<16xi32>
      %shift_right_arithmetic3A_146 = arith.constant 7 : i32
      %shift_right_arithmetic3A_147 = vector.broadcast %shift_right_arithmetic3A_146 : i32 to vector<16xi32>
      %shift_right_arithmetic3A_148 = arith.shrsi %add3A_145, %shift_right_arithmetic3A_147 : vector<16xi32>
      %and3A_149 = arith.constant 127 : i32
      %and3A_150 = vector.broadcast %and3A_149 : i32 to vector<16xi32>
      %and3A_151 = arith.andi %add3A_145, %and3A_150 : vector<16xi32>
      tpu.vector_store_idx %arg7[%shift_right_arithmetic3A_148, %and3A_151], %gather3A_131 : memref<52x128xi32, #tpu.memory_space<vmem>>[vector<16xi32>, vector<16xi32>], vector<16xi32>,
      %add3A_152 = arith.constant 32 : i32
      %add3A_153 = arith.addi %scan3A_14#0, %add3A_152 : i32
      %add3A_154 = vector.broadcast %add3A_153 : i32 to vector<16xi32>
      %add3A_155 = arith.addi %add3A_154, %iota3A : vector<16xi32>
      %shift_right_arithmetic3A_156 = arith.constant 7 : i32
      %shift_right_arithmetic3A_157 = vector.broadcast %shift_right_arithmetic3A_156 : i32 to vector<16xi32>
      %shift_right_arithmetic3A_158 = arith.shrsi %add3A_155, %shift_right_arithmetic3A_157 : vector<16xi32>
      %and3A_159 = arith.constant 127 : i32
      %and3A_160 = vector.broadcast %and3A_159 : i32 to vector<16xi32>
      %and3A_161 = arith.andi %add3A_155, %and3A_160 : vector<16xi32>
      tpu.vector_store_idx %arg7[%shift_right_arithmetic3A_158, %and3A_161], %gather3A_131 : memref<52x128xi32, #tpu.memory_space<vmem>>[vector<16xi32>, vector<16xi32>], vector<16xi32>,
      %add3A_162 = arith.constant 48 : i32
      %add3A_163 = arith.addi %scan3A_14#0, %add3A_162 : i32
      %add3A_164 = vector.broadcast %add3A_163 : i32 to vector<16xi32>
      %add3A_165 = arith.addi %add3A_164, %iota3A : vector<16xi32>
      %shift_right_arithmetic3A_166 = arith.constant 7 : i32
      %shift_right_arithmetic3A_167 = vector.broadcast %shift_right_arithmetic3A_166 : i32 to vector<16xi32>
      %shift_right_arithmetic3A_168 = arith.shrsi %add3A_165, %shift_right_arithmetic3A_167 : vector<16xi32>
      %and3A_169 = arith.constant 127 : i32
      %and3A_170 = vector.broadcast %and3A_169 : i32 to vector<16xi32>
      %and3A_171 = arith.andi %add3A_165, %and3A_170 : vector<16xi32>
      tpu.vector_store_idx %arg7[%shift_right_arithmetic3A_168, %and3A_171], %gather3A_131 : memref<52x128xi32, #tpu.memory_space<vmem>>[vector<16xi32>, vector<16xi32>], vector<16xi32>,
      %add3A_172 = arith.constant 64 : i32
      %add3A_173 = arith.addi %scan3A_14#0, %add3A_172 : i32
      %add3A_174 = vector.broadcast %add3A_173 : i32 to vector<16xi32>
      %add3A_175 = arith.addi %add3A_174, %iota3A : vector<16xi32>
      %shift_right_arithmetic3A_176 = arith.constant 7 : i32
      %shift_right_arithmetic3A_177 = vector.broadcast %shift_right_arithmetic3A_176 : i32 to vector<16xi32>
      %shift_right_arithmetic3A_178 = arith.shrsi %add3A_175, %shift_right_arithmetic3A_177 : vector<16xi32>
      %and3A_179 = arith.constant 127 : i32
      %and3A_180 = vector.broadcast %and3A_179 : i32 to vector<16xi32>
      %and3A_181 = arith.andi %add3A_175, %and3A_180 : vector<16xi32>
      tpu.vector_store_idx %arg7[%shift_right_arithmetic3A_178, %and3A_181], %gather3A_131 : memref<52x128xi32, #tpu.memory_space<vmem>>[vector<16xi32>, vector<16xi32>], vector<16xi32>,
      %add3A_182 = arith.constant 80 : i32
      %add3A_183 = arith.addi %scan3A_14#0, %add3A_182 : i32
      %add3A_184 = vector.broadcast %add3A_183 : i32 to vector<16xi32>
      %add3A_185 = arith.addi %add3A_184, %iota3A : vector<16xi32>
      %shift_right_arithmetic3A_186 = arith.constant 7 : i32
      %shift_right_arithmetic3A_187 = vector.broadcast %shift_right_arithmetic3A_186 : i32 to vector<16xi32>
      %shift_right_arithmetic3A_188 = arith.shrsi %add3A_185, %shift_right_arithmetic3A_187 : vector<16xi32>
      %and3A_189 = arith.constant 127 : i32
      %and3A_190 = vector.broadcast %and3A_189 : i32 to vector<16xi32>
      %and3A_191 = arith.andi %add3A_185, %and3A_190 : vector<16xi32>
      tpu.vector_store_idx %arg7[%shift_right_arithmetic3A_188, %and3A_191], %gather3A_131 : memref<52x128xi32, #tpu.memory_space<vmem>>[vector<16xi32>, vector<16xi32>], vector<16xi32>,
      %add3A_192 = arith.constant 96 : i32
      %add3A_193 = arith.addi %scan3A_14#0, %add3A_192 : i32
      %add3A_194 = vector.broadcast %add3A_193 : i32 to vector<16xi32>
      %add3A_195 = arith.addi %add3A_194, %iota3A : vector<16xi32>
      %shift_right_arithmetic3A_196 = arith.constant 7 : i32
      %shift_right_arithmetic3A_197 = vector.broadcast %shift_right_arithmetic3A_196 : i32 to vector<16xi32>
      %shift_right_arithmetic3A_198 = arith.shrsi %add3A_195, %shift_right_arithmetic3A_197 : vector<16xi32>
      %and3A_199 = arith.constant 127 : i32
      %and3A_200 = vector.broadcast %and3A_199 : i32 to vector<16xi32>
      %and3A_201 = arith.andi %add3A_195, %and3A_200 : vector<16xi32>
      tpu.vector_store_idx %arg7[%shift_right_arithmetic3A_198, %and3A_201], %gather3A_131 : memref<52x128xi32, #tpu.memory_space<vmem>>[vector<16xi32>, vector<16xi32>], vector<16xi32>,
      %add3A_202 = arith.constant 112 : i32
      %add3A_203 = arith.addi %scan3A_14#0, %add3A_202 : i32
      %add3A_204 = vector.broadcast %add3A_203 : i32 to vector<16xi32>
      %add3A_205 = arith.addi %add3A_204, %iota3A : vector<16xi32>
      %shift_right_arithmetic3A_206 = arith.constant 7 : i32
      %shift_right_arithmetic3A_207 = vector.broadcast %shift_right_arithmetic3A_206 : i32 to vector<16xi32>
      %shift_right_arithmetic3A_208 = arith.shrsi %add3A_205, %shift_right_arithmetic3A_207 : vector<16xi32>
      %and3A_209 = arith.constant 127 : i32
      %and3A_210 = vector.broadcast %and3A_209 : i32 to vector<16xi32>
      %and3A_211 = arith.andi %add3A_205, %and3A_210 : vector<16xi32>
      tpu.vector_store_idx %arg7[%shift_right_arithmetic3A_208, %and3A_211], %gather3A_131 : memref<52x128xi32, #tpu.memory_space<vmem>>[vector<16xi32>, vector<16xi32>], vector<16xi32>,
      %add3A_212 = arith.constant 128 : i32
      %add3A_213 = arith.addi %scan3A_14#0, %add3A_212 : i32
      %sub3A_214 = arith.constant 1 : i32
      %sub3A_215 = arith.subi %add3A_213, %sub3A_214 : i32
      %shift_right_arithmetic3A_216 = arith.constant 7 : i32
      %shift_right_arithmetic3A_217 = arith.shrsi %sub3A_215, %shift_right_arithmetic3A_216 : i32
      %add3A_218 = arith.constant 4 : i32
      %add3A_219 = arith.addi %shift_right_arithmetic3A_217, %add3A_218 : i32
      %sub3A_220 = arith.constant 1 : i32
      %sub3A_221 = arith.subi %add3A_219, %sub3A_220 : i32
      %jit3A = arith.constant 4 : i32
      %div3A = arith.divsi %sub3A_221, %jit3A : i32
      %sign3A = arith.constant 0 : i32
      %sign3A_222 = arith.cmpi sgt, %sub3A_221, %sign3A : i32
      %sign3A_223 = arith.extui %sign3A_222 : i1 to i32
      %sign3A_224 = arith.constant 0 : i32
      %sign3A_225 = arith.cmpi slt, %sub3A_221, %sign3A_224 : i32
      %sign3A_226 = arith.extui %sign3A_225 : i1 to i32
      %sign3A_227 = arith.subi %sign3A_223, %sign3A_226 : i32
      %sign3A_228 = arith.constant 0 : i32
      %sign3A_229 = arith.cmpi sgt, %jit3A, %sign3A_228 : i32
      %sign3A_230 = arith.extui %sign3A_229 : i1 to i32
      %sign3A_231 = arith.constant 0 : i32
      %sign3A_232 = arith.cmpi slt, %jit3A, %sign3A_231 : i32
      %sign3A_233 = arith.extui %sign3A_232 : i1 to i32
      %sign3A_234 = arith.subi %sign3A_230, %sign3A_233 : i32
      %ne3A = arith.cmpi ne, %sign3A_227, %sign3A_234 : i32
      %rem3A = arith.remsi %sub3A_221, %jit3A : i32
      %ne3A_235 = arith.constant 0 : i32
      %ne3A_236 = arith.cmpi ne, %rem3A, %ne3A_235 : i32
      %and3A_237 = arith.andi %ne3A, %ne3A_236 : i1
      %sub3A_238 = arith.constant 1 : i32
      %sub3A_239 = arith.subi %div3A, %sub3A_238 : i32
      %select_n3A = arith.select %and3A_237, %sub3A_239, %div3A : i32
      %while3A = arith.constant 0 : i32
      %while3A_240 = arith.constant 0 : i32
      %while3A_241 = arith.subi %select_n3A, %while3A_240 : i32
      %while3A_242 = arith.addi %while3A_240, %while3A_241 : i32
      %while3A_243 = arith.constant 1 : i32
      %while3A_244 = arith.divsi %while3A_241, %while3A_243 : i32
      %while3A_245 = arith.muli %while3A_244, %while3A_243 : i32
      %while3A_246 = arith.addi %while3A_240, %while3A_245 : i32
      %while3A_247 = arith.constant 1 : i32
      scf.for %while3A_269 = %while3A_240 to %while3A_246 step %while3A_247  : i32 {
        %mul3A_270 = arith.constant 4 : i32
        %mul3A_271 = arith.muli %while3A_269, %mul3A_270 : i32
        %add3A_272 = arith.constant 0 : i32
        %add3A_273 = arith.addi %mul3A_271, %add3A_272 : i32
        %lt3A = arith.cmpi slt, %add3A_273, %shift_right_arithmetic3A_217 : i32
        %convert_element_type3A_274 = arith.extui %lt3A : i1 to i32
        %cond3A_275 = arith.constant 0 : i32
        %cond3A_276 = arith.cmpi ne, %convert_element_type3A_274, %cond3A_275 : i32
        scf.if %cond3A_276 {
          %gt3A_333 = arith.constant 0 : i32
          %gt3A_334 = arith.cmpi sgt, %while3A_269, %gt3A_333 : i32
          %convert_element_type3A_335 = arith.extui %gt3A_334 : i1 to i32
          %cond3A_336 = arith.constant 0 : i32
          %cond3A_337 = arith.cmpi ne, %convert_element_type3A_335, %cond3A_336 : i32
          scf.if %cond3A_337 {
            %dma_wait3A = arith.constant 0 : i32
            %dma_wait3A_346 = arith.constant 0 : i32
            %dma_wait3A_347 = tpu.memref_slice %arg9[%dma_wait3A, %dma_wait3A_346] : memref<512x64xf32, #tpu.memory_space<vmem>> -> memref<128x64xf32, #tpu.memory_space<vmem>>
            %dma_wait3A_348 = arith.constant 0 : i32
            %dma_wait3A_349 = tpu.memref_slice %arg7[%add3A_273, %dma_wait3A_348] : memref<52x128xi32, #tpu.memory_space<vmem>> -> memref<1x128xi32, #tpu.memory_space<vmem>>
            %dma_wait3A_350 = tpu.memref_squeeze %dma_wait3A_349 : memref<1x128xi32, #tpu.memory_space<vmem>> -> memref<128xi32, #tpu.memory_space<vmem>>
            %dma_wait3A_351 = arith.constant 0 : i32
            %dma_wait3A_352 = arith.constant 0 : i32
            %dma_wait3A_353 = tpu.memref_slice %arg4[%dma_wait3A_351, %dma_wait3A_352] : memref<204800x64xf32, #tpu.memory_space<hbm>> -> memref<204800x64xf32, #tpu.memory_space<hbm>>
            tpu.wait_indirect_dma semaphore(%arg15 : memref<!tpu.dma_semaphore, #tpu.memory_space<semaphore_mem>>) src(%dma_wait3A_347 : memref<128x64xf32, #tpu.memory_space<vmem>>) dst(%dma_wait3A_353 : memref<204800x64xf32, #tpu.memory_space<hbm>>)
          } else {
          }
          %dma_start3A = arith.constant 0 : i32
          %dma_start3A_338 = arith.constant 0 : i32
          %dma_start3A_339 = tpu.memref_slice %arg9[%dma_start3A, %dma_start3A_338] : memref<512x64xf32, #tpu.memory_space<vmem>> -> memref<128x64xf32, #tpu.memory_space<vmem>>
          %dma_start3A_340 = arith.constant 0 : i32
          %dma_start3A_341 = tpu.memref_slice %arg6[%add3A_273, %dma_start3A_340] : memref<52x128xi32, #tpu.memory_space<vmem>> -> memref<1x128xi32, #tpu.memory_space<vmem>>
          %dma_start3A_342 = tpu.memref_squeeze %dma_start3A_341 : memref<1x128xi32, #tpu.memory_space<vmem>> -> memref<128xi32, #tpu.memory_space<vmem>>
          %dma_start3A_343 = arith.constant 0 : i32
          %dma_start3A_344 = arith.constant 0 : i32
          %dma_start3A_345 = tpu.memref_slice %arg3[%dma_start3A_343, %dma_start3A_344] : memref<250000x64xf32, #tpu.memory_space<hbm>> -> memref<250000x64xf32, #tpu.memory_space<hbm>>
          tpu.enqueue_indirect_dma source(%dma_start3A_345 : memref<250000x64xf32, #tpu.memory_space<hbm>>) target(%dma_start3A_339 : memref<128x64xf32, #tpu.memory_space<vmem>>) offsets(%dma_start3A_342 : memref<128xi32, #tpu.memory_space<vmem>>) semaphore(%arg11 : memref<!tpu.dma_semaphore, #tpu.memory_space<semaphore_mem>>)
        } else {
        }
        %mul3A_277 = arith.constant 4 : i32
        %mul3A_278 = arith.muli %while3A_269, %mul3A_277 : i32
        %add3A_279 = arith.constant 1 : i32
        %add3A_280 = arith.addi %mul3A_278, %add3A_279 : i32
        %lt3A_281 = arith.cmpi slt, %add3A_280, %shift_right_arithmetic3A_217 : i32
        %convert_element_type3A_282 = arith.extui %lt3A_281 : i1 to i32
        %cond3A_283 = arith.constant 0 : i32
        %cond3A_284 = arith.cmpi ne, %convert_element_type3A_282, %cond3A_283 : i32
        scf.if %cond3A_284 {
          %gt3A_333 = arith.constant 0 : i32
          %gt3A_334 = arith.cmpi sgt, %while3A_269, %gt3A_333 : i32
          %convert_element_type3A_335 = arith.extui %gt3A_334 : i1 to i32
          %cond3A_336 = arith.constant 0 : i32
          %cond3A_337 = arith.cmpi ne, %convert_element_type3A_335, %cond3A_336 : i32
          scf.if %cond3A_337 {
            %dma_wait3A = arith.constant 128 : i32
            %dma_wait3A_346 = arith.constant 0 : i32
            %dma_wait3A_347 = tpu.memref_slice %arg9[%dma_wait3A, %dma_wait3A_346] : memref<512x64xf32, #tpu.memory_space<vmem>> -> memref<128x64xf32, #tpu.memory_space<vmem>>
            %dma_wait3A_348 = arith.constant 0 : i32
            %dma_wait3A_349 = tpu.memref_slice %arg7[%add3A_280, %dma_wait3A_348] : memref<52x128xi32, #tpu.memory_space<vmem>> -> memref<1x128xi32, #tpu.memory_space<vmem>>
            %dma_wait3A_350 = tpu.memref_squeeze %dma_wait3A_349 : memref<1x128xi32, #tpu.memory_space<vmem>> -> memref<128xi32, #tpu.memory_space<vmem>>
            %dma_wait3A_351 = arith.constant 0 : i32
            %dma_wait3A_352 = arith.constant 0 : i32
            %dma_wait3A_353 = tpu.memref_slice %arg4[%dma_wait3A_351, %dma_wait3A_352] : memref<204800x64xf32, #tpu.memory_space<hbm>> -> memref<204800x64xf32, #tpu.memory_space<hbm>>
            tpu.wait_indirect_dma semaphore(%arg16 : memref<!tpu.dma_semaphore, #tpu.memory_space<semaphore_mem>>) src(%dma_wait3A_347 : memref<128x64xf32, #tpu.memory_space<vmem>>) dst(%dma_wait3A_353 : memref<204800x64xf32, #tpu.memory_space<hbm>>)
          } else {
          }
          %dma_start3A = arith.constant 128 : i32
          %dma_start3A_338 = arith.constant 0 : i32
          %dma_start3A_339 = tpu.memref_slice %arg9[%dma_start3A, %dma_start3A_338] : memref<512x64xf32, #tpu.memory_space<vmem>> -> memref<128x64xf32, #tpu.memory_space<vmem>>
          %dma_start3A_340 = arith.constant 0 : i32
          %dma_start3A_341 = tpu.memref_slice %arg6[%add3A_280, %dma_start3A_340] : memref<52x128xi32, #tpu.memory_space<vmem>> -> memref<1x128xi32, #tpu.memory_space<vmem>>
          %dma_start3A_342 = tpu.memref_squeeze %dma_start3A_341 : memref<1x128xi32, #tpu.memory_space<vmem>> -> memref<128xi32, #tpu.memory_space<vmem>>
          %dma_start3A_343 = arith.constant 0 : i32
          %dma_start3A_344 = arith.constant 0 : i32
          %dma_start3A_345 = tpu.memref_slice %arg3[%dma_start3A_343, %dma_start3A_344] : memref<250000x64xf32, #tpu.memory_space<hbm>> -> memref<250000x64xf32, #tpu.memory_space<hbm>>
          tpu.enqueue_indirect_dma source(%dma_start3A_345 : memref<250000x64xf32, #tpu.memory_space<hbm>>) target(%dma_start3A_339 : memref<128x64xf32, #tpu.memory_space<vmem>>) offsets(%dma_start3A_342 : memref<128xi32, #tpu.memory_space<vmem>>) semaphore(%arg12 : memref<!tpu.dma_semaphore, #tpu.memory_space<semaphore_mem>>)
        } else {
        }
        %mul3A_285 = arith.constant 4 : i32
        %mul3A_286 = arith.muli %while3A_269, %mul3A_285 : i32
        %add3A_287 = arith.constant 2 : i32
        %add3A_288 = arith.addi %mul3A_286, %add3A_287 : i32
        %lt3A_289 = arith.cmpi slt, %add3A_288, %shift_right_arithmetic3A_217 : i32
        %convert_element_type3A_290 = arith.extui %lt3A_289 : i1 to i32
        %cond3A_291 = arith.constant 0 : i32
        %cond3A_292 = arith.cmpi ne, %convert_element_type3A_290, %cond3A_291 : i32
        scf.if %cond3A_292 {
          %gt3A_333 = arith.constant 0 : i32
          %gt3A_334 = arith.cmpi sgt, %while3A_269, %gt3A_333 : i32
          %convert_element_type3A_335 = arith.extui %gt3A_334 : i1 to i32
          %cond3A_336 = arith.constant 0 : i32
          %cond3A_337 = arith.cmpi ne, %convert_element_type3A_335, %cond3A_336 : i32
          scf.if %cond3A_337 {
            %dma_wait3A = arith.constant 256 : i32
            %dma_wait3A_346 = arith.constant 0 : i32
            %dma_wait3A_347 = tpu.memref_slice %arg9[%dma_wait3A, %dma_wait3A_346] : memref<512x64xf32, #tpu.memory_space<vmem>> -> memref<128x64xf32, #tpu.memory_space<vmem>>
            %dma_wait3A_348 = arith.constant 0 : i32
            %dma_wait3A_349 = tpu.memref_slice %arg7[%add3A_288, %dma_wait3A_348] : memref<52x128xi32, #tpu.memory_space<vmem>> -> memref<1x128xi32, #tpu.memory_space<vmem>>
            %dma_wait3A_350 = tpu.memref_squeeze %dma_wait3A_349 : memref<1x128xi32, #tpu.memory_space<vmem>> -> memref<128xi32, #tpu.memory_space<vmem>>
            %dma_wait3A_351 = arith.constant 0 : i32
            %dma_wait3A_352 = arith.constant 0 : i32
            %dma_wait3A_353 = tpu.memref_slice %arg4[%dma_wait3A_351, %dma_wait3A_352] : memref<204800x64xf32, #tpu.memory_space<hbm>> -> memref<204800x64xf32, #tpu.memory_space<hbm>>
            tpu.wait_indirect_dma semaphore(%arg17 : memref<!tpu.dma_semaphore, #tpu.memory_space<semaphore_mem>>) src(%dma_wait3A_347 : memref<128x64xf32, #tpu.memory_space<vmem>>) dst(%dma_wait3A_353 : memref<204800x64xf32, #tpu.memory_space<hbm>>)
          } else {
          }
          %dma_start3A = arith.constant 256 : i32
          %dma_start3A_338 = arith.constant 0 : i32
          %dma_start3A_339 = tpu.memref_slice %arg9[%dma_start3A, %dma_start3A_338] : memref<512x64xf32, #tpu.memory_space<vmem>> -> memref<128x64xf32, #tpu.memory_space<vmem>>
          %dma_start3A_340 = arith.constant 0 : i32
          %dma_start3A_341 = tpu.memref_slice %arg6[%add3A_288, %dma_start3A_340] : memref<52x128xi32, #tpu.memory_space<vmem>> -> memref<1x128xi32, #tpu.memory_space<vmem>>
          %dma_start3A_342 = tpu.memref_squeeze %dma_start3A_341 : memref<1x128xi32, #tpu.memory_space<vmem>> -> memref<128xi32, #tpu.memory_space<vmem>>
          %dma_start3A_343 = arith.constant 0 : i32
          %dma_start3A_344 = arith.constant 0 : i32
          %dma_start3A_345 = tpu.memref_slice %arg3[%dma_start3A_343, %dma_start3A_344] : memref<250000x64xf32, #tpu.memory_space<hbm>> -> memref<250000x64xf32, #tpu.memory_space<hbm>>
          tpu.enqueue_indirect_dma source(%dma_start3A_345 : memref<250000x64xf32, #tpu.memory_space<hbm>>) target(%dma_start3A_339 : memref<128x64xf32, #tpu.memory_space<vmem>>) offsets(%dma_start3A_342 : memref<128xi32, #tpu.memory_space<vmem>>) semaphore(%arg13 : memref<!tpu.dma_semaphore, #tpu.memory_space<semaphore_mem>>)
        } else {
        }
        %mul3A_293 = arith.constant 4 : i32
        %mul3A_294 = arith.muli %while3A_269, %mul3A_293 : i32
        %add3A_295 = arith.constant 3 : i32
        %add3A_296 = arith.addi %mul3A_294, %add3A_295 : i32
        %lt3A_297 = arith.cmpi slt, %add3A_296, %shift_right_arithmetic3A_217 : i32
        %convert_element_type3A_298 = arith.extui %lt3A_297 : i1 to i32
        %cond3A_299 = arith.constant 0 : i32
        %cond3A_300 = arith.cmpi ne, %convert_element_type3A_298, %cond3A_299 : i32
        scf.if %cond3A_300 {
          %gt3A_333 = arith.constant 0 : i32
          %gt3A_334 = arith.cmpi sgt, %while3A_269, %gt3A_333 : i32
          %convert_element_type3A_335 = arith.extui %gt3A_334 : i1 to i32
          %cond3A_336 = arith.constant 0 : i32
          %cond3A_337 = arith.cmpi ne, %convert_element_type3A_335, %cond3A_336 : i32
          scf.if %cond3A_337 {
            %dma_wait3A = arith.constant 384 : i32
            %dma_wait3A_346 = arith.constant 0 : i32
            %dma_wait3A_347 = tpu.memref_slice %arg9[%dma_wait3A, %dma_wait3A_346] : memref<512x64xf32, #tpu.memory_space<vmem>> -> memref<128x64xf32, #tpu.memory_space<vmem>>
            %dma_wait3A_348 = arith.constant 0 : i32
            %dma_wait3A_349 = tpu.memref_slice %arg7[%add3A_296, %dma_wait3A_348] : memref<52x128xi32, #tpu.memory_space<vmem>> -> memref<1x128xi32, #tpu.memory_space<vmem>>
            %dma_wait3A_350 = tpu.memref_squeeze %dma_wait3A_349 : memref<1x128xi32, #tpu.memory_space<vmem>> -> memref<128xi32, #tpu.memory_space<vmem>>
            %dma_wait3A_351 = arith.constant 0 : i32
            %dma_wait3A_352 = arith.constant 0 : i32
            %dma_wait3A_353 = tpu.memref_slice %arg4[%dma_wait3A_351, %dma_wait3A_352] : memref<204800x64xf32, #tpu.memory_space<hbm>> -> memref<204800x64xf32, #tpu.memory_space<hbm>>
            tpu.wait_indirect_dma semaphore(%arg18 : memref<!tpu.dma_semaphore, #tpu.memory_space<semaphore_mem>>) src(%dma_wait3A_347 : memref<128x64xf32, #tpu.memory_space<vmem>>) dst(%dma_wait3A_353 : memref<204800x64xf32, #tpu.memory_space<hbm>>)
          } else {
          }
          %dma_start3A = arith.constant 384 : i32
          %dma_start3A_338 = arith.constant 0 : i32
          %dma_start3A_339 = tpu.memref_slice %arg9[%dma_start3A, %dma_start3A_338] : memref<512x64xf32, #tpu.memory_space<vmem>> -> memref<128x64xf32, #tpu.memory_space<vmem>>
          %dma_start3A_340 = arith.constant 0 : i32
          %dma_start3A_341 = tpu.memref_slice %arg6[%add3A_296, %dma_start3A_340] : memref<52x128xi32, #tpu.memory_space<vmem>> -> memref<1x128xi32, #tpu.memory_space<vmem>>
          %dma_start3A_342 = tpu.memref_squeeze %dma_start3A_341 : memref<1x128xi32, #tpu.memory_space<vmem>> -> memref<128xi32, #tpu.memory_space<vmem>>
          %dma_start3A_343 = arith.constant 0 : i32
          %dma_start3A_344 = arith.constant 0 : i32
          %dma_start3A_345 = tpu.memref_slice %arg3[%dma_start3A_343, %dma_start3A_344] : memref<250000x64xf32, #tpu.memory_space<hbm>> -> memref<250000x64xf32, #tpu.memory_space<hbm>>
          tpu.enqueue_indirect_dma source(%dma_start3A_345 : memref<250000x64xf32, #tpu.memory_space<hbm>>) target(%dma_start3A_339 : memref<128x64xf32, #tpu.memory_space<vmem>>) offsets(%dma_start3A_342 : memref<128xi32, #tpu.memory_space<vmem>>) semaphore(%arg14 : memref<!tpu.dma_semaphore, #tpu.memory_space<semaphore_mem>>)
        } else {
        }
        %mul3A_301 = arith.constant 4 : i32
        %mul3A_302 = arith.muli %while3A_269, %mul3A_301 : i32
        %add3A_303 = arith.constant 0 : i32
        %add3A_304 = arith.addi %mul3A_302, %add3A_303 : i32
        %lt3A_305 = arith.cmpi slt, %add3A_304, %shift_right_arithmetic3A_217 : i32
        %convert_element_type3A_306 = arith.extui %lt3A_305 : i1 to i32
        %cond3A_307 = arith.constant 0 : i32
        %cond3A_308 = arith.cmpi ne, %convert_element_type3A_306, %cond3A_307 : i32
        scf.if %cond3A_308 {
          %dma_wait3A = arith.constant 0 : i32
          %dma_wait3A_333 = arith.constant 0 : i32
          %dma_wait3A_334 = tpu.memref_slice %arg9[%dma_wait3A, %dma_wait3A_333] : memref<512x64xf32, #tpu.memory_space<vmem>> -> memref<128x64xf32, #tpu.memory_space<vmem>>
          %dma_wait3A_335 = arith.constant 0 : i32
          %dma_wait3A_336 = tpu.memref_slice %arg6[%add3A_304, %dma_wait3A_335] : memref<52x128xi32, #tpu.memory_space<vmem>> -> memref<1x128xi32, #tpu.memory_space<vmem>>
          %dma_wait3A_337 = tpu.memref_squeeze %dma_wait3A_336 : memref<1x128xi32, #tpu.memory_space<vmem>> -> memref<128xi32, #tpu.memory_space<vmem>>
          %dma_wait3A_338 = arith.constant 0 : i32
          %dma_wait3A_339 = arith.constant 0 : i32
          %dma_wait3A_340 = tpu.memref_slice %arg3[%dma_wait3A_338, %dma_wait3A_339] : memref<250000x64xf32, #tpu.memory_space<hbm>> -> memref<250000x64xf32, #tpu.memory_space<hbm>>
          tpu.wait_indirect_dma semaphore(%arg11 : memref<!tpu.dma_semaphore, #tpu.memory_space<semaphore_mem>>) src(%dma_wait3A_340 : memref<250000x64xf32, #tpu.memory_space<hbm>>) dst(%dma_wait3A_334 : memref<128x64xf32, #tpu.memory_space<vmem>>)
          %dma_start3A = arith.constant 0 : i32
          %dma_start3A_341 = arith.constant 0 : i32
          %dma_start3A_342 = tpu.memref_slice %arg9[%dma_start3A, %dma_start3A_341] : memref<512x64xf32, #tpu.memory_space<vmem>> -> memref<128x64xf32, #tpu.memory_space<vmem>>
          %dma_start3A_343 = arith.constant 0 : i32
          %dma_start3A_344 = tpu.memref_slice %arg7[%add3A_304, %dma_start3A_343] : memref<52x128xi32, #tpu.memory_space<vmem>> -> memref<1x128xi32, #tpu.memory_space<vmem>>
          %dma_start3A_345 = tpu.memref_squeeze %dma_start3A_344 : memref<1x128xi32, #tpu.memory_space<vmem>> -> memref<128xi32, #tpu.memory_space<vmem>>
          %dma_start3A_346 = arith.constant 0 : i32
          %dma_start3A_347 = arith.constant 0 : i32
          %dma_start3A_348 = tpu.memref_slice %arg4[%dma_start3A_346, %dma_start3A_347] : memref<204800x64xf32, #tpu.memory_space<hbm>> -> memref<204800x64xf32, #tpu.memory_space<hbm>>
          tpu.enqueue_indirect_dma source(%dma_start3A_342 : memref<128x64xf32, #tpu.memory_space<vmem>>) target(%dma_start3A_348 : memref<204800x64xf32, #tpu.memory_space<hbm>>) offsets(%dma_start3A_345 : memref<128xi32, #tpu.memory_space<vmem>>) semaphore(%arg15 : memref<!tpu.dma_semaphore, #tpu.memory_space<semaphore_mem>>)
        } else {
        }
        %mul3A_309 = arith.constant 4 : i32
        %mul3A_310 = arith.muli %while3A_269, %mul3A_309 : i32
        %add3A_311 = arith.constant 1 : i32
        %add3A_312 = arith.addi %mul3A_310, %add3A_311 : i32
        %lt3A_313 = arith.cmpi slt, %add3A_312, %shift_right_arithmetic3A_217 : i32
        %convert_element_type3A_314 = arith.extui %lt3A_313 : i1 to i32
        %cond3A_315 = arith.constant 0 : i32
        %cond3A_316 = arith.cmpi ne, %convert_element_type3A_314, %cond3A_315 : i32
        scf.if %cond3A_316 {
          %dma_wait3A = arith.constant 128 : i32
          %dma_wait3A_333 = arith.constant 0 : i32
          %dma_wait3A_334 = tpu.memref_slice %arg9[%dma_wait3A, %dma_wait3A_333] : memref<512x64xf32, #tpu.memory_space<vmem>> -> memref<128x64xf32, #tpu.memory_space<vmem>>
          %dma_wait3A_335 = arith.constant 0 : i32
          %dma_wait3A_336 = tpu.memref_slice %arg6[%add3A_312, %dma_wait3A_335] : memref<52x128xi32, #tpu.memory_space<vmem>> -> memref<1x128xi32, #tpu.memory_space<vmem>>
          %dma_wait3A_337 = tpu.memref_squeeze %dma_wait3A_336 : memref<1x128xi32, #tpu.memory_space<vmem>> -> memref<128xi32, #tpu.memory_space<vmem>>
          %dma_wait3A_338 = arith.constant 0 : i32
          %dma_wait3A_339 = arith.constant 0 : i32
          %dma_wait3A_340 = tpu.memref_slice %arg3[%dma_wait3A_338, %dma_wait3A_339] : memref<250000x64xf32, #tpu.memory_space<hbm>> -> memref<250000x64xf32, #tpu.memory_space<hbm>>
          tpu.wait_indirect_dma semaphore(%arg12 : memref<!tpu.dma_semaphore, #tpu.memory_space<semaphore_mem>>) src(%dma_wait3A_340 : memref<250000x64xf32, #tpu.memory_space<hbm>>) dst(%dma_wait3A_334 : memref<128x64xf32, #tpu.memory_space<vmem>>)
          %dma_start3A = arith.constant 128 : i32
          %dma_start3A_341 = arith.constant 0 : i32
          %dma_start3A_342 = tpu.memref_slice %arg9[%dma_start3A, %dma_start3A_341] : memref<512x64xf32, #tpu.memory_space<vmem>> -> memref<128x64xf32, #tpu.memory_space<vmem>>
          %dma_start3A_343 = arith.constant 0 : i32
          %dma_start3A_344 = tpu.memref_slice %arg7[%add3A_312, %dma_start3A_343] : memref<52x128xi32, #tpu.memory_space<vmem>> -> memref<1x128xi32, #tpu.memory_space<vmem>>
          %dma_start3A_345 = tpu.memref_squeeze %dma_start3A_344 : memref<1x128xi32, #tpu.memory_space<vmem>> -> memref<128xi32, #tpu.memory_space<vmem>>
          %dma_start3A_346 = arith.constant 0 : i32
          %dma_start3A_347 = arith.constant 0 : i32
          %dma_start3A_348 = tpu.memref_slice %arg4[%dma_start3A_346, %dma_start3A_347] : memref<204800x64xf32, #tpu.memory_space<hbm>> -> memref<204800x64xf32, #tpu.memory_space<hbm>>
          tpu.enqueue_indirect_dma source(%dma_start3A_342 : memref<128x64xf32, #tpu.memory_space<vmem>>) target(%dma_start3A_348 : memref<204800x64xf32, #tpu.memory_space<hbm>>) offsets(%dma_start3A_345 : memref<128xi32, #tpu.memory_space<vmem>>) semaphore(%arg16 : memref<!tpu.dma_semaphore, #tpu.memory_space<semaphore_mem>>)
        } else {
        }
        %mul3A_317 = arith.constant 4 : i32
        %mul3A_318 = arith.muli %while3A_269, %mul3A_317 : i32
        %add3A_319 = arith.constant 2 : i32
        %add3A_320 = arith.addi %mul3A_318, %add3A_319 : i32
        %lt3A_321 = arith.cmpi slt, %add3A_320, %shift_right_arithmetic3A_217 : i32
        %convert_element_type3A_322 = arith.extui %lt3A_321 : i1 to i32
        %cond3A_323 = arith.constant 0 : i32
        %cond3A_324 = arith.cmpi ne, %convert_element_type3A_322, %cond3A_323 : i32
        scf.if %cond3A_324 {
          %dma_wait3A = arith.constant 256 : i32
          %dma_wait3A_333 = arith.constant 0 : i32
          %dma_wait3A_334 = tpu.memref_slice %arg9[%dma_wait3A, %dma_wait3A_333] : memref<512x64xf32, #tpu.memory_space<vmem>> -> memref<128x64xf32, #tpu.memory_space<vmem>>
          %dma_wait3A_335 = arith.constant 0 : i32
          %dma_wait3A_336 = tpu.memref_slice %arg6[%add3A_320, %dma_wait3A_335] : memref<52x128xi32, #tpu.memory_space<vmem>> -> memref<1x128xi32, #tpu.memory_space<vmem>>
          %dma_wait3A_337 = tpu.memref_squeeze %dma_wait3A_336 : memref<1x128xi32, #tpu.memory_space<vmem>> -> memref<128xi32, #tpu.memory_space<vmem>>
          %dma_wait3A_338 = arith.constant 0 : i32
          %dma_wait3A_339 = arith.constant 0 : i32
          %dma_wait3A_340 = tpu.memref_slice %arg3[%dma_wait3A_338, %dma_wait3A_339] : memref<250000x64xf32, #tpu.memory_space<hbm>> -> memref<250000x64xf32, #tpu.memory_space<hbm>>
          tpu.wait_indirect_dma semaphore(%arg13 : memref<!tpu.dma_semaphore, #tpu.memory_space<semaphore_mem>>) src(%dma_wait3A_340 : memref<250000x64xf32, #tpu.memory_space<hbm>>) dst(%dma_wait3A_334 : memref<128x64xf32, #tpu.memory_space<vmem>>)
          %dma_start3A = arith.constant 256 : i32
          %dma_start3A_341 = arith.constant 0 : i32
          %dma_start3A_342 = tpu.memref_slice %arg9[%dma_start3A, %dma_start3A_341] : memref<512x64xf32, #tpu.memory_space<vmem>> -> memref<128x64xf32, #tpu.memory_space<vmem>>
          %dma_start3A_343 = arith.constant 0 : i32
          %dma_start3A_344 = tpu.memref_slice %arg7[%add3A_320, %dma_start3A_343] : memref<52x128xi32, #tpu.memory_space<vmem>> -> memref<1x128xi32, #tpu.memory_space<vmem>>
          %dma_start3A_345 = tpu.memref_squeeze %dma_start3A_344 : memref<1x128xi32, #tpu.memory_space<vmem>> -> memref<128xi32, #tpu.memory_space<vmem>>
          %dma_start3A_346 = arith.constant 0 : i32
          %dma_start3A_347 = arith.constant 0 : i32
          %dma_start3A_348 = tpu.memref_slice %arg4[%dma_start3A_346, %dma_start3A_347] : memref<204800x64xf32, #tpu.memory_space<hbm>> -> memref<204800x64xf32, #tpu.memory_space<hbm>>
          tpu.enqueue_indirect_dma source(%dma_start3A_342 : memref<128x64xf32, #tpu.memory_space<vmem>>) target(%dma_start3A_348 : memref<204800x64xf32, #tpu.memory_space<hbm>>) offsets(%dma_start3A_345 : memref<128xi32, #tpu.memory_space<vmem>>) semaphore(%arg17 : memref<!tpu.dma_semaphore, #tpu.memory_space<semaphore_mem>>)
        } else {
        }
        %mul3A_325 = arith.constant 4 : i32
        %mul3A_326 = arith.muli %while3A_269, %mul3A_325 : i32
        %add3A_327 = arith.constant 3 : i32
        %add3A_328 = arith.addi %mul3A_326, %add3A_327 : i32
        %lt3A_329 = arith.cmpi slt, %add3A_328, %shift_right_arithmetic3A_217 : i32
        %convert_element_type3A_330 = arith.extui %lt3A_329 : i1 to i32
        %cond3A_331 = arith.constant 0 : i32
        %cond3A_332 = arith.cmpi ne, %convert_element_type3A_330, %cond3A_331 : i32
        scf.if %cond3A_332 {
          %dma_wait3A = arith.constant 384 : i32
          %dma_wait3A_333 = arith.constant 0 : i32
          %dma_wait3A_334 = tpu.memref_slice %arg9[%dma_wait3A, %dma_wait3A_333] : memref<512x64xf32, #tpu.memory_space<vmem>> -> memref<128x64xf32, #tpu.memory_space<vmem>>
          %dma_wait3A_335 = arith.constant 0 : i32
          %dma_wait3A_336 = tpu.memref_slice %arg6[%add3A_328, %dma_wait3A_335] : memref<52x128xi32, #tpu.memory_space<vmem>> -> memref<1x128xi32, #tpu.memory_space<vmem>>
          %dma_wait3A_337 = tpu.memref_squeeze %dma_wait3A_336 : memref<1x128xi32, #tpu.memory_space<vmem>> -> memref<128xi32, #tpu.memory_space<vmem>>
          %dma_wait3A_338 = arith.constant 0 : i32
          %dma_wait3A_339 = arith.constant 0 : i32
          %dma_wait3A_340 = tpu.memref_slice %arg3[%dma_wait3A_338, %dma_wait3A_339] : memref<250000x64xf32, #tpu.memory_space<hbm>> -> memref<250000x64xf32, #tpu.memory_space<hbm>>
          tpu.wait_indirect_dma semaphore(%arg14 : memref<!tpu.dma_semaphore, #tpu.memory_space<semaphore_mem>>) src(%dma_wait3A_340 : memref<250000x64xf32, #tpu.memory_space<hbm>>) dst(%dma_wait3A_334 : memref<128x64xf32, #tpu.memory_space<vmem>>)
          %dma_start3A = arith.constant 384 : i32
          %dma_start3A_341 = arith.constant 0 : i32
          %dma_start3A_342 = tpu.memref_slice %arg9[%dma_start3A, %dma_start3A_341] : memref<512x64xf32, #tpu.memory_space<vmem>> -> memref<128x64xf32, #tpu.memory_space<vmem>>
          %dma_start3A_343 = arith.constant 0 : i32
          %dma_start3A_344 = tpu.memref_slice %arg7[%add3A_328, %dma_start3A_343] : memref<52x128xi32, #tpu.memory_space<vmem>> -> memref<1x128xi32, #tpu.memory_space<vmem>>
          %dma_start3A_345 = tpu.memref_squeeze %dma_start3A_344 : memref<1x128xi32, #tpu.memory_space<vmem>> -> memref<128xi32, #tpu.memory_space<vmem>>
          %dma_start3A_346 = arith.constant 0 : i32
          %dma_start3A_347 = arith.constant 0 : i32
          %dma_start3A_348 = tpu.memref_slice %arg4[%dma_start3A_346, %dma_start3A_347] : memref<204800x64xf32, #tpu.memory_space<hbm>> -> memref<204800x64xf32, #tpu.memory_space<hbm>>
          tpu.enqueue_indirect_dma source(%dma_start3A_342 : memref<128x64xf32, #tpu.memory_space<vmem>>) target(%dma_start3A_348 : memref<204800x64xf32, #tpu.memory_space<hbm>>) offsets(%dma_start3A_345 : memref<128xi32, #tpu.memory_space<vmem>>) semaphore(%arg18 : memref<!tpu.dma_semaphore, #tpu.memory_space<semaphore_mem>>)
        } else {
        }
      }
      %while3A_248 = arith.constant 1 : i32
      scf.for %while3A_269 = %while3A_246 to %while3A_242 step %while3A_248  : i32 {
        %mul3A_270 = arith.constant 4 : i32
        %mul3A_271 = arith.muli %while3A_269, %mul3A_270 : i32
        %add3A_272 = arith.constant 0 : i32
        %add3A_273 = arith.addi %mul3A_271, %add3A_272 : i32
        %lt3A = arith.cmpi slt, %add3A_273, %shift_right_arithmetic3A_217 : i32
        %convert_element_type3A_274 = arith.extui %lt3A : i1 to i32
        %cond3A_275 = arith.constant 0 : i32
        %cond3A_276 = arith.cmpi ne, %convert_element_type3A_274, %cond3A_275 : i32
        scf.if %cond3A_276 {
          %gt3A_333 = arith.constant 0 : i32
          %gt3A_334 = arith.cmpi sgt, %while3A_269, %gt3A_333 : i32
          %convert_element_type3A_335 = arith.extui %gt3A_334 : i1 to i32
          %cond3A_336 = arith.constant 0 : i32
          %cond3A_337 = arith.cmpi ne, %convert_element_type3A_335, %cond3A_336 : i32
          scf.if %cond3A_337 {
            %dma_wait3A = arith.constant 0 : i32
            %dma_wait3A_346 = arith.constant 0 : i32
            %dma_wait3A_347 = tpu.memref_slice %arg9[%dma_wait3A, %dma_wait3A_346] : memref<512x64xf32, #tpu.memory_space<vmem>> -> memref<128x64xf32, #tpu.memory_space<vmem>>
            %dma_wait3A_348 = arith.constant 0 : i32
            %dma_wait3A_349 = tpu.memref_slice %arg7[%add3A_273, %dma_wait3A_348] : memref<52x128xi32, #tpu.memory_space<vmem>> -> memref<1x128xi32, #tpu.memory_space<vmem>>
            %dma_wait3A_350 = tpu.memref_squeeze %dma_wait3A_349 : memref<1x128xi32, #tpu.memory_space<vmem>> -> memref<128xi32, #tpu.memory_space<vmem>>
            %dma_wait3A_351 = arith.constant 0 : i32
            %dma_wait3A_352 = arith.constant 0 : i32
            %dma_wait3A_353 = tpu.memref_slice %arg4[%dma_wait3A_351, %dma_wait3A_352] : memref<204800x64xf32, #tpu.memory_space<hbm>> -> memref<204800x64xf32, #tpu.memory_space<hbm>>
            tpu.wait_indirect_dma semaphore(%arg15 : memref<!tpu.dma_semaphore, #tpu.memory_space<semaphore_mem>>) src(%dma_wait3A_347 : memref<128x64xf32, #tpu.memory_space<vmem>>) dst(%dma_wait3A_353 : memref<204800x64xf32, #tpu.memory_space<hbm>>)
          } else {
          }
          %dma_start3A = arith.constant 0 : i32
          %dma_start3A_338 = arith.constant 0 : i32
          %dma_start3A_339 = tpu.memref_slice %arg9[%dma_start3A, %dma_start3A_338] : memref<512x64xf32, #tpu.memory_space<vmem>> -> memref<128x64xf32, #tpu.memory_space<vmem>>
          %dma_start3A_340 = arith.constant 0 : i32
          %dma_start3A_341 = tpu.memref_slice %arg6[%add3A_273, %dma_start3A_340] : memref<52x128xi32, #tpu.memory_space<vmem>> -> memref<1x128xi32, #tpu.memory_space<vmem>>
          %dma_start3A_342 = tpu.memref_squeeze %dma_start3A_341 : memref<1x128xi32, #tpu.memory_space<vmem>> -> memref<128xi32, #tpu.memory_space<vmem>>
          %dma_start3A_343 = arith.constant 0 : i32
          %dma_start3A_344 = arith.constant 0 : i32
          %dma_start3A_345 = tpu.memref_slice %arg3[%dma_start3A_343, %dma_start3A_344] : memref<250000x64xf32, #tpu.memory_space<hbm>> -> memref<250000x64xf32, #tpu.memory_space<hbm>>
          tpu.enqueue_indirect_dma source(%dma_start3A_345 : memref<250000x64xf32, #tpu.memory_space<hbm>>) target(%dma_start3A_339 : memref<128x64xf32, #tpu.memory_space<vmem>>) offsets(%dma_start3A_342 : memref<128xi32, #tpu.memory_space<vmem>>) semaphore(%arg11 : memref<!tpu.dma_semaphore, #tpu.memory_space<semaphore_mem>>)
        } else {
        }
        %mul3A_277 = arith.constant 4 : i32
        %mul3A_278 = arith.muli %while3A_269, %mul3A_277 : i32
        %add3A_279 = arith.constant 1 : i32
        %add3A_280 = arith.addi %mul3A_278, %add3A_279 : i32
        %lt3A_281 = arith.cmpi slt, %add3A_280, %shift_right_arithmetic3A_217 : i32
        %convert_element_type3A_282 = arith.extui %lt3A_281 : i1 to i32
        %cond3A_283 = arith.constant 0 : i32
        %cond3A_284 = arith.cmpi ne, %convert_element_type3A_282, %cond3A_283 : i32
        scf.if %cond3A_284 {
          %gt3A_333 = arith.constant 0 : i32
          %gt3A_334 = arith.cmpi sgt, %while3A_269, %gt3A_333 : i32
          %convert_element_type3A_335 = arith.extui %gt3A_334 : i1 to i32
          %cond3A_336 = arith.constant 0 : i32
          %cond3A_337 = arith.cmpi ne, %convert_element_type3A_335, %cond3A_336 : i32
          scf.if %cond3A_337 {
            %dma_wait3A = arith.constant 128 : i32
            %dma_wait3A_346 = arith.constant 0 : i32
            %dma_wait3A_347 = tpu.memref_slice %arg9[%dma_wait3A, %dma_wait3A_346] : memref<512x64xf32, #tpu.memory_space<vmem>> -> memref<128x64xf32, #tpu.memory_space<vmem>>
            %dma_wait3A_348 = arith.constant 0 : i32
            %dma_wait3A_349 = tpu.memref_slice %arg7[%add3A_280, %dma_wait3A_348] : memref<52x128xi32, #tpu.memory_space<vmem>> -> memref<1x128xi32, #tpu.memory_space<vmem>>
            %dma_wait3A_350 = tpu.memref_squeeze %dma_wait3A_349 : memref<1x128xi32, #tpu.memory_space<vmem>> -> memref<128xi32, #tpu.memory_space<vmem>>
            %dma_wait3A_351 = arith.constant 0 : i32
            %dma_wait3A_352 = arith.constant 0 : i32
            %dma_wait3A_353 = tpu.memref_slice %arg4[%dma_wait3A_351, %dma_wait3A_352] : memref<204800x64xf32, #tpu.memory_space<hbm>> -> memref<204800x64xf32, #tpu.memory_space<hbm>>
            tpu.wait_indirect_dma semaphore(%arg16 : memref<!tpu.dma_semaphore, #tpu.memory_space<semaphore_mem>>) src(%dma_wait3A_347 : memref<128x64xf32, #tpu.memory_space<vmem>>) dst(%dma_wait3A_353 : memref<204800x64xf32, #tpu.memory_space<hbm>>)
          } else {
          }
          %dma_start3A = arith.constant 128 : i32
          %dma_start3A_338 = arith.constant 0 : i32
          %dma_start3A_339 = tpu.memref_slice %arg9[%dma_start3A, %dma_start3A_338] : memref<512x64xf32, #tpu.memory_space<vmem>> -> memref<128x64xf32, #tpu.memory_space<vmem>>
          %dma_start3A_340 = arith.constant 0 : i32
          %dma_start3A_341 = tpu.memref_slice %arg6[%add3A_280, %dma_start3A_340] : memref<52x128xi32, #tpu.memory_space<vmem>> -> memref<1x128xi32, #tpu.memory_space<vmem>>
          %dma_start3A_342 = tpu.memref_squeeze %dma_start3A_341 : memref<1x128xi32, #tpu.memory_space<vmem>> -> memref<128xi32, #tpu.memory_space<vmem>>
          %dma_start3A_343 = arith.constant 0 : i32
          %dma_start3A_344 = arith.constant 0 : i32
          %dma_start3A_345 = tpu.memref_slice %arg3[%dma_start3A_343, %dma_start3A_344] : memref<250000x64xf32, #tpu.memory_space<hbm>> -> memref<250000x64xf32, #tpu.memory_space<hbm>>
          tpu.enqueue_indirect_dma source(%dma_start3A_345 : memref<250000x64xf32, #tpu.memory_space<hbm>>) target(%dma_start3A_339 : memref<128x64xf32, #tpu.memory_space<vmem>>) offsets(%dma_start3A_342 : memref<128xi32, #tpu.memory_space<vmem>>) semaphore(%arg12 : memref<!tpu.dma_semaphore, #tpu.memory_space<semaphore_mem>>)
        } else {
        }
        %mul3A_285 = arith.constant 4 : i32
        %mul3A_286 = arith.muli %while3A_269, %mul3A_285 : i32
        %add3A_287 = arith.constant 2 : i32
        %add3A_288 = arith.addi %mul3A_286, %add3A_287 : i32
        %lt3A_289 = arith.cmpi slt, %add3A_288, %shift_right_arithmetic3A_217 : i32
        %convert_element_type3A_290 = arith.extui %lt3A_289 : i1 to i32
        %cond3A_291 = arith.constant 0 : i32
        %cond3A_292 = arith.cmpi ne, %convert_element_type3A_290, %cond3A_291 : i32
        scf.if %cond3A_292 {
          %gt3A_333 = arith.constant 0 : i32
          %gt3A_334 = arith.cmpi sgt, %while3A_269, %gt3A_333 : i32
          %convert_element_type3A_335 = arith.extui %gt3A_334 : i1 to i32
          %cond3A_336 = arith.constant 0 : i32
          %cond3A_337 = arith.cmpi ne, %convert_element_type3A_335, %cond3A_336 : i32
          scf.if %cond3A_337 {
            %dma_wait3A = arith.constant 256 : i32
            %dma_wait3A_346 = arith.constant 0 : i32
            %dma_wait3A_347 = tpu.memref_slice %arg9[%dma_wait3A, %dma_wait3A_346] : memref<512x64xf32, #tpu.memory_space<vmem>> -> memref<128x64xf32, #tpu.memory_space<vmem>>
            %dma_wait3A_348 = arith.constant 0 : i32
            %dma_wait3A_349 = tpu.memref_slice %arg7[%add3A_288, %dma_wait3A_348] : memref<52x128xi32, #tpu.memory_space<vmem>> -> memref<1x128xi32, #tpu.memory_space<vmem>>
            %dma_wait3A_350 = tpu.memref_squeeze %dma_wait3A_349 : memref<1x128xi32, #tpu.memory_space<vmem>> -> memref<128xi32, #tpu.memory_space<vmem>>
            %dma_wait3A_351 = arith.constant 0 : i32
            %dma_wait3A_352 = arith.constant 0 : i32
            %dma_wait3A_353 = tpu.memref_slice %arg4[%dma_wait3A_351, %dma_wait3A_352] : memref<204800x64xf32, #tpu.memory_space<hbm>> -> memref<204800x64xf32, #tpu.memory_space<hbm>>
            tpu.wait_indirect_dma semaphore(%arg17 : memref<!tpu.dma_semaphore, #tpu.memory_space<semaphore_mem>>) src(%dma_wait3A_347 : memref<128x64xf32, #tpu.memory_space<vmem>>) dst(%dma_wait3A_353 : memref<204800x64xf32, #tpu.memory_space<hbm>>)
          } else {
          }
          %dma_start3A = arith.constant 256 : i32
          %dma_start3A_338 = arith.constant 0 : i32
          %dma_start3A_339 = tpu.memref_slice %arg9[%dma_start3A, %dma_start3A_338] : memref<512x64xf32, #tpu.memory_space<vmem>> -> memref<128x64xf32, #tpu.memory_space<vmem>>
          %dma_start3A_340 = arith.constant 0 : i32
          %dma_start3A_341 = tpu.memref_slice %arg6[%add3A_288, %dma_start3A_340] : memref<52x128xi32, #tpu.memory_space<vmem>> -> memref<1x128xi32, #tpu.memory_space<vmem>>
          %dma_start3A_342 = tpu.memref_squeeze %dma_start3A_341 : memref<1x128xi32, #tpu.memory_space<vmem>> -> memref<128xi32, #tpu.memory_space<vmem>>
          %dma_start3A_343 = arith.constant 0 : i32
          %dma_start3A_344 = arith.constant 0 : i32
          %dma_start3A_345 = tpu.memref_slice %arg3[%dma_start3A_343, %dma_start3A_344] : memref<250000x64xf32, #tpu.memory_space<hbm>> -> memref<250000x64xf32, #tpu.memory_space<hbm>>
          tpu.enqueue_indirect_dma source(%dma_start3A_345 : memref<250000x64xf32, #tpu.memory_space<hbm>>) target(%dma_start3A_339 : memref<128x64xf32, #tpu.memory_space<vmem>>) offsets(%dma_start3A_342 : memref<128xi32, #tpu.memory_space<vmem>>) semaphore(%arg13 : memref<!tpu.dma_semaphore, #tpu.memory_space<semaphore_mem>>)
        } else {
        }
        %mul3A_293 = arith.constant 4 : i32
        %mul3A_294 = arith.muli %while3A_269, %mul3A_293 : i32
        %add3A_295 = arith.constant 3 : i32
        %add3A_296 = arith.addi %mul3A_294, %add3A_295 : i32
        %lt3A_297 = arith.cmpi slt, %add3A_296, %shift_right_arithmetic3A_217 : i32
        %convert_element_type3A_298 = arith.extui %lt3A_297 : i1 to i32
        %cond3A_299 = arith.constant 0 : i32
        %cond3A_300 = arith.cmpi ne, %convert_element_type3A_298, %cond3A_299 : i32
        scf.if %cond3A_300 {
          %gt3A_333 = arith.constant 0 : i32
          %gt3A_334 = arith.cmpi sgt, %while3A_269, %gt3A_333 : i32
          %convert_element_type3A_335 = arith.extui %gt3A_334 : i1 to i32
          %cond3A_336 = arith.constant 0 : i32
          %cond3A_337 = arith.cmpi ne, %convert_element_type3A_335, %cond3A_336 : i32
          scf.if %cond3A_337 {
            %dma_wait3A = arith.constant 384 : i32
            %dma_wait3A_346 = arith.constant 0 : i32
            %dma_wait3A_347 = tpu.memref_slice %arg9[%dma_wait3A, %dma_wait3A_346] : memref<512x64xf32, #tpu.memory_space<vmem>> -> memref<128x64xf32, #tpu.memory_space<vmem>>
            %dma_wait3A_348 = arith.constant 0 : i32
            %dma_wait3A_349 = tpu.memref_slice %arg7[%add3A_296, %dma_wait3A_348] : memref<52x128xi32, #tpu.memory_space<vmem>> -> memref<1x128xi32, #tpu.memory_space<vmem>>
            %dma_wait3A_350 = tpu.memref_squeeze %dma_wait3A_349 : memref<1x128xi32, #tpu.memory_space<vmem>> -> memref<128xi32, #tpu.memory_space<vmem>>
            %dma_wait3A_351 = arith.constant 0 : i32
            %dma_wait3A_352 = arith.constant 0 : i32
            %dma_wait3A_353 = tpu.memref_slice %arg4[%dma_wait3A_351, %dma_wait3A_352] : memref<204800x64xf32, #tpu.memory_space<hbm>> -> memref<204800x64xf32, #tpu.memory_space<hbm>>
            tpu.wait_indirect_dma semaphore(%arg18 : memref<!tpu.dma_semaphore, #tpu.memory_space<semaphore_mem>>) src(%dma_wait3A_347 : memref<128x64xf32, #tpu.memory_space<vmem>>) dst(%dma_wait3A_353 : memref<204800x64xf32, #tpu.memory_space<hbm>>)
          } else {
          }
          %dma_start3A = arith.constant 384 : i32
          %dma_start3A_338 = arith.constant 0 : i32
          %dma_start3A_339 = tpu.memref_slice %arg9[%dma_start3A, %dma_start3A_338] : memref<512x64xf32, #tpu.memory_space<vmem>> -> memref<128x64xf32, #tpu.memory_space<vmem>>
          %dma_start3A_340 = arith.constant 0 : i32
          %dma_start3A_341 = tpu.memref_slice %arg6[%add3A_296, %dma_start3A_340] : memref<52x128xi32, #tpu.memory_space<vmem>> -> memref<1x128xi32, #tpu.memory_space<vmem>>
          %dma_start3A_342 = tpu.memref_squeeze %dma_start3A_341 : memref<1x128xi32, #tpu.memory_space<vmem>> -> memref<128xi32, #tpu.memory_space<vmem>>
          %dma_start3A_343 = arith.constant 0 : i32
          %dma_start3A_344 = arith.constant 0 : i32
          %dma_start3A_345 = tpu.memref_slice %arg3[%dma_start3A_343, %dma_start3A_344] : memref<250000x64xf32, #tpu.memory_space<hbm>> -> memref<250000x64xf32, #tpu.memory_space<hbm>>
          tpu.enqueue_indirect_dma source(%dma_start3A_345 : memref<250000x64xf32, #tpu.memory_space<hbm>>) target(%dma_start3A_339 : memref<128x64xf32, #tpu.memory_space<vmem>>) offsets(%dma_start3A_342 : memref<128xi32, #tpu.memory_space<vmem>>) semaphore(%arg14 : memref<!tpu.dma_semaphore, #tpu.memory_space<semaphore_mem>>)
        } else {
        }
        %mul3A_301 = arith.constant 4 : i32
        %mul3A_302 = arith.muli %while3A_269, %mul3A_301 : i32
        %add3A_303 = arith.constant 0 : i32
        %add3A_304 = arith.addi %mul3A_302, %add3A_303 : i32
        %lt3A_305 = arith.cmpi slt, %add3A_304, %shift_right_arithmetic3A_217 : i32
        %convert_element_type3A_306 = arith.extui %lt3A_305 : i1 to i32
        %cond3A_307 = arith.constant 0 : i32
        %cond3A_308 = arith.cmpi ne, %convert_element_type3A_306, %cond3A_307 : i32
        scf.if %cond3A_308 {
          %dma_wait3A = arith.constant 0 : i32
          %dma_wait3A_333 = arith.constant 0 : i32
          %dma_wait3A_334 = tpu.memref_slice %arg9[%dma_wait3A, %dma_wait3A_333] : memref<512x64xf32, #tpu.memory_space<vmem>> -> memref<128x64xf32, #tpu.memory_space<vmem>>
          %dma_wait3A_335 = arith.constant 0 : i32
          %dma_wait3A_336 = tpu.memref_slice %arg6[%add3A_304, %dma_wait3A_335] : memref<52x128xi32, #tpu.memory_space<vmem>> -> memref<1x128xi32, #tpu.memory_space<vmem>>
          %dma_wait3A_337 = tpu.memref_squeeze %dma_wait3A_336 : memref<1x128xi32, #tpu.memory_space<vmem>> -> memref<128xi32, #tpu.memory_space<vmem>>
          %dma_wait3A_338 = arith.constant 0 : i32
          %dma_wait3A_339 = arith.constant 0 : i32
          %dma_wait3A_340 = tpu.memref_slice %arg3[%dma_wait3A_338, %dma_wait3A_339] : memref<250000x64xf32, #tpu.memory_space<hbm>> -> memref<250000x64xf32, #tpu.memory_space<hbm>>
          tpu.wait_indirect_dma semaphore(%arg11 : memref<!tpu.dma_semaphore, #tpu.memory_space<semaphore_mem>>) src(%dma_wait3A_340 : memref<250000x64xf32, #tpu.memory_space<hbm>>) dst(%dma_wait3A_334 : memref<128x64xf32, #tpu.memory_space<vmem>>)
          %dma_start3A = arith.constant 0 : i32
          %dma_start3A_341 = arith.constant 0 : i32
          %dma_start3A_342 = tpu.memref_slice %arg9[%dma_start3A, %dma_start3A_341] : memref<512x64xf32, #tpu.memory_space<vmem>> -> memref<128x64xf32, #tpu.memory_space<vmem>>
          %dma_start3A_343 = arith.constant 0 : i32
          %dma_start3A_344 = tpu.memref_slice %arg7[%add3A_304, %dma_start3A_343] : memref<52x128xi32, #tpu.memory_space<vmem>> -> memref<1x128xi32, #tpu.memory_space<vmem>>
          %dma_start3A_345 = tpu.memref_squeeze %dma_start3A_344 : memref<1x128xi32, #tpu.memory_space<vmem>> -> memref<128xi32, #tpu.memory_space<vmem>>
          %dma_start3A_346 = arith.constant 0 : i32
          %dma_start3A_347 = arith.constant 0 : i32
          %dma_start3A_348 = tpu.memref_slice %arg4[%dma_start3A_346, %dma_start3A_347] : memref<204800x64xf32, #tpu.memory_space<hbm>> -> memref<204800x64xf32, #tpu.memory_space<hbm>>
          tpu.enqueue_indirect_dma source(%dma_start3A_342 : memref<128x64xf32, #tpu.memory_space<vmem>>) target(%dma_start3A_348 : memref<204800x64xf32, #tpu.memory_space<hbm>>) offsets(%dma_start3A_345 : memref<128xi32, #tpu.memory_space<vmem>>) semaphore(%arg15 : memref<!tpu.dma_semaphore, #tpu.memory_space<semaphore_mem>>)
        } else {
        }
        %mul3A_309 = arith.constant 4 : i32
        %mul3A_310 = arith.muli %while3A_269, %mul3A_309 : i32
        %add3A_311 = arith.constant 1 : i32
        %add3A_312 = arith.addi %mul3A_310, %add3A_311 : i32
        %lt3A_313 = arith.cmpi slt, %add3A_312, %shift_right_arithmetic3A_217 : i32
        %convert_element_type3A_314 = arith.extui %lt3A_313 : i1 to i32
        %cond3A_315 = arith.constant 0 : i32
        %cond3A_316 = arith.cmpi ne, %convert_element_type3A_314, %cond3A_315 : i32
        scf.if %cond3A_316 {
          %dma_wait3A = arith.constant 128 : i32
          %dma_wait3A_333 = arith.constant 0 : i32
          %dma_wait3A_334 = tpu.memref_slice %arg9[%dma_wait3A, %dma_wait3A_333] : memref<512x64xf32, #tpu.memory_space<vmem>> -> memref<128x64xf32, #tpu.memory_space<vmem>>
          %dma_wait3A_335 = arith.constant 0 : i32
          %dma_wait3A_336 = tpu.memref_slice %arg6[%add3A_312, %dma_wait3A_335] : memref<52x128xi32, #tpu.memory_space<vmem>> -> memref<1x128xi32, #tpu.memory_space<vmem>>
          %dma_wait3A_337 = tpu.memref_squeeze %dma_wait3A_336 : memref<1x128xi32, #tpu.memory_space<vmem>> -> memref<128xi32, #tpu.memory_space<vmem>>
          %dma_wait3A_338 = arith.constant 0 : i32
          %dma_wait3A_339 = arith.constant 0 : i32
          %dma_wait3A_340 = tpu.memref_slice %arg3[%dma_wait3A_338, %dma_wait3A_339] : memref<250000x64xf32, #tpu.memory_space<hbm>> -> memref<250000x64xf32, #tpu.memory_space<hbm>>
          tpu.wait_indirect_dma semaphore(%arg12 : memref<!tpu.dma_semaphore, #tpu.memory_space<semaphore_mem>>) src(%dma_wait3A_340 : memref<250000x64xf32, #tpu.memory_space<hbm>>) dst(%dma_wait3A_334 : memref<128x64xf32, #tpu.memory_space<vmem>>)
          %dma_start3A = arith.constant 128 : i32
          %dma_start3A_341 = arith.constant 0 : i32
          %dma_start3A_342 = tpu.memref_slice %arg9[%dma_start3A, %dma_start3A_341] : memref<512x64xf32, #tpu.memory_space<vmem>> -> memref<128x64xf32, #tpu.memory_space<vmem>>
          %dma_start3A_343 = arith.constant 0 : i32
          %dma_start3A_344 = tpu.memref_slice %arg7[%add3A_312, %dma_start3A_343] : memref<52x128xi32, #tpu.memory_space<vmem>> -> memref<1x128xi32, #tpu.memory_space<vmem>>
          %dma_start3A_345 = tpu.memref_squeeze %dma_start3A_344 : memref<1x128xi32, #tpu.memory_space<vmem>> -> memref<128xi32, #tpu.memory_space<vmem>>
          %dma_start3A_346 = arith.constant 0 : i32
          %dma_start3A_347 = arith.constant 0 : i32
          %dma_start3A_348 = tpu.memref_slice %arg4[%dma_start3A_346, %dma_start3A_347] : memref<204800x64xf32, #tpu.memory_space<hbm>> -> memref<204800x64xf32, #tpu.memory_space<hbm>>
          tpu.enqueue_indirect_dma source(%dma_start3A_342 : memref<128x64xf32, #tpu.memory_space<vmem>>) target(%dma_start3A_348 : memref<204800x64xf32, #tpu.memory_space<hbm>>) offsets(%dma_start3A_345 : memref<128xi32, #tpu.memory_space<vmem>>) semaphore(%arg16 : memref<!tpu.dma_semaphore, #tpu.memory_space<semaphore_mem>>)
        } else {
        }
        %mul3A_317 = arith.constant 4 : i32
        %mul3A_318 = arith.muli %while3A_269, %mul3A_317 : i32
        %add3A_319 = arith.constant 2 : i32
        %add3A_320 = arith.addi %mul3A_318, %add3A_319 : i32
        %lt3A_321 = arith.cmpi slt, %add3A_320, %shift_right_arithmetic3A_217 : i32
        %convert_element_type3A_322 = arith.extui %lt3A_321 : i1 to i32
        %cond3A_323 = arith.constant 0 : i32
        %cond3A_324 = arith.cmpi ne, %convert_element_type3A_322, %cond3A_323 : i32
        scf.if %cond3A_324 {
          %dma_wait3A = arith.constant 256 : i32
          %dma_wait3A_333 = arith.constant 0 : i32
          %dma_wait3A_334 = tpu.memref_slice %arg9[%dma_wait3A, %dma_wait3A_333] : memref<512x64xf32, #tpu.memory_space<vmem>> -> memref<128x64xf32, #tpu.memory_space<vmem>>
          %dma_wait3A_335 = arith.constant 0 : i32
          %dma_wait3A_336 = tpu.memref_slice %arg6[%add3A_320, %dma_wait3A_335] : memref<52x128xi32, #tpu.memory_space<vmem>> -> memref<1x128xi32, #tpu.memory_space<vmem>>
          %dma_wait3A_337 = tpu.memref_squeeze %dma_wait3A_336 : memref<1x128xi32, #tpu.memory_space<vmem>> -> memref<128xi32, #tpu.memory_space<vmem>>
          %dma_wait3A_338 = arith.constant 0 : i32
          %dma_wait3A_339 = arith.constant 0 : i32
          %dma_wait3A_340 = tpu.memref_slice %arg3[%dma_wait3A_338, %dma_wait3A_339] : memref<250000x64xf32, #tpu.memory_space<hbm>> -> memref<250000x64xf32, #tpu.memory_space<hbm>>
          tpu.wait_indirect_dma semaphore(%arg13 : memref<!tpu.dma_semaphore, #tpu.memory_space<semaphore_mem>>) src(%dma_wait3A_340 : memref<250000x64xf32, #tpu.memory_space<hbm>>) dst(%dma_wait3A_334 : memref<128x64xf32, #tpu.memory_space<vmem>>)
          %dma_start3A = arith.constant 256 : i32
          %dma_start3A_341 = arith.constant 0 : i32
          %dma_start3A_342 = tpu.memref_slice %arg9[%dma_start3A, %dma_start3A_341] : memref<512x64xf32, #tpu.memory_space<vmem>> -> memref<128x64xf32, #tpu.memory_space<vmem>>
          %dma_start3A_343 = arith.constant 0 : i32
          %dma_start3A_344 = tpu.memref_slice %arg7[%add3A_320, %dma_start3A_343] : memref<52x128xi32, #tpu.memory_space<vmem>> -> memref<1x128xi32, #tpu.memory_space<vmem>>
          %dma_start3A_345 = tpu.memref_squeeze %dma_start3A_344 : memref<1x128xi32, #tpu.memory_space<vmem>> -> memref<128xi32, #tpu.memory_space<vmem>>
          %dma_start3A_346 = arith.constant 0 : i32
          %dma_start3A_347 = arith.constant 0 : i32
          %dma_start3A_348 = tpu.memref_slice %arg4[%dma_start3A_346, %dma_start3A_347] : memref<204800x64xf32, #tpu.memory_space<hbm>> -> memref<204800x64xf32, #tpu.memory_space<hbm>>
          tpu.enqueue_indirect_dma source(%dma_start3A_342 : memref<128x64xf32, #tpu.memory_space<vmem>>) target(%dma_start3A_348 : memref<204800x64xf32, #tpu.memory_space<hbm>>) offsets(%dma_start3A_345 : memref<128xi32, #tpu.memory_space<vmem>>) semaphore(%arg17 : memref<!tpu.dma_semaphore, #tpu.memory_space<semaphore_mem>>)
        } else {
        }
        %mul3A_325 = arith.constant 4 : i32
        %mul3A_326 = arith.muli %while3A_269, %mul3A_325 : i32
        %add3A_327 = arith.constant 3 : i32
        %add3A_328 = arith.addi %mul3A_326, %add3A_327 : i32
        %lt3A_329 = arith.cmpi slt, %add3A_328, %shift_right_arithmetic3A_217 : i32
        %convert_element_type3A_330 = arith.extui %lt3A_329 : i1 to i32
        %cond3A_331 = arith.constant 0 : i32
        %cond3A_332 = arith.cmpi ne, %convert_element_type3A_330, %cond3A_331 : i32
        scf.if %cond3A_332 {
          %dma_wait3A = arith.constant 384 : i32
          %dma_wait3A_333 = arith.constant 0 : i32
          %dma_wait3A_334 = tpu.memref_slice %arg9[%dma_wait3A, %dma_wait3A_333] : memref<512x64xf32, #tpu.memory_space<vmem>> -> memref<128x64xf32, #tpu.memory_space<vmem>>
          %dma_wait3A_335 = arith.constant 0 : i32
          %dma_wait3A_336 = tpu.memref_slice %arg6[%add3A_328, %dma_wait3A_335] : memref<52x128xi32, #tpu.memory_space<vmem>> -> memref<1x128xi32, #tpu.memory_space<vmem>>
          %dma_wait3A_337 = tpu.memref_squeeze %dma_wait3A_336 : memref<1x128xi32, #tpu.memory_space<vmem>> -> memref<128xi32, #tpu.memory_space<vmem>>
          %dma_wait3A_338 = arith.constant 0 : i32
          %dma_wait3A_339 = arith.constant 0 : i32
          %dma_wait3A_340 = tpu.memref_slice %arg3[%dma_wait3A_338, %dma_wait3A_339] : memref<250000x64xf32, #tpu.memory_space<hbm>> -> memref<250000x64xf32, #tpu.memory_space<hbm>>
          tpu.wait_indirect_dma semaphore(%arg14 : memref<!tpu.dma_semaphore, #tpu.memory_space<semaphore_mem>>) src(%dma_wait3A_340 : memref<250000x64xf32, #tpu.memory_space<hbm>>) dst(%dma_wait3A_334 : memref<128x64xf32, #tpu.memory_space<vmem>>)
          %dma_start3A = arith.constant 384 : i32
          %dma_start3A_341 = arith.constant 0 : i32
          %dma_start3A_342 = tpu.memref_slice %arg9[%dma_start3A, %dma_start3A_341] : memref<512x64xf32, #tpu.memory_space<vmem>> -> memref<128x64xf32, #tpu.memory_space<vmem>>
          %dma_start3A_343 = arith.constant 0 : i32
          %dma_start3A_344 = tpu.memref_slice %arg7[%add3A_328, %dma_start3A_343] : memref<52x128xi32, #tpu.memory_space<vmem>> -> memref<1x128xi32, #tpu.memory_space<vmem>>
          %dma_start3A_345 = tpu.memref_squeeze %dma_start3A_344 : memref<1x128xi32, #tpu.memory_space<vmem>> -> memref<128xi32, #tpu.memory_space<vmem>>
          %dma_start3A_346 = arith.constant 0 : i32
          %dma_start3A_347 = arith.constant 0 : i32
          %dma_start3A_348 = tpu.memref_slice %arg4[%dma_start3A_346, %dma_start3A_347] : memref<204800x64xf32, #tpu.memory_space<hbm>> -> memref<204800x64xf32, #tpu.memory_space<hbm>>
          tpu.enqueue_indirect_dma source(%dma_start3A_342 : memref<128x64xf32, #tpu.memory_space<vmem>>) target(%dma_start3A_348 : memref<204800x64xf32, #tpu.memory_space<hbm>>) offsets(%dma_start3A_345 : memref<128xi32, #tpu.memory_space<vmem>>) semaphore(%arg18 : memref<!tpu.dma_semaphore, #tpu.memory_space<semaphore_mem>>)
        } else {
        }
      }
      %gt3A_249 = arith.constant 0 : i32
      %gt3A_250 = arith.cmpi sgt, %shift_right_arithmetic3A_217, %gt3A_249 : i32
      %convert_element_type3A_251 = arith.extui %gt3A_250 : i1 to i32
      %cond3A_252 = arith.constant 0 : i32
      %cond3A_253 = arith.cmpi ne, %convert_element_type3A_251, %cond3A_252 : i32
      scf.if %cond3A_253 {
        %dma_wait3A = arith.constant 0 : i32
        %dma_wait3A_269 = arith.constant 0 : i32
        %dma_wait3A_270 = arith.constant 0 : i32
        %dma_wait3A_271 = tpu.memref_slice %arg9[%dma_wait3A_269, %dma_wait3A_270] : memref<512x64xf32, #tpu.memory_space<vmem>> -> memref<128x64xf32, #tpu.memory_space<vmem>>
        %dma_wait3A_272 = arith.constant 0 : i32
        %dma_wait3A_273 = tpu.memref_slice %arg7[%dma_wait3A, %dma_wait3A_272] : memref<52x128xi32, #tpu.memory_space<vmem>> -> memref<1x128xi32, #tpu.memory_space<vmem>>
        %dma_wait3A_274 = tpu.memref_squeeze %dma_wait3A_273 : memref<1x128xi32, #tpu.memory_space<vmem>> -> memref<128xi32, #tpu.memory_space<vmem>>
        %dma_wait3A_275 = arith.constant 0 : i32
        %dma_wait3A_276 = arith.constant 0 : i32
        %dma_wait3A_277 = tpu.memref_slice %arg4[%dma_wait3A_275, %dma_wait3A_276] : memref<204800x64xf32, #tpu.memory_space<hbm>> -> memref<204800x64xf32, #tpu.memory_space<hbm>>
        tpu.wait_indirect_dma semaphore(%arg15 : memref<!tpu.dma_semaphore, #tpu.memory_space<semaphore_mem>>) src(%dma_wait3A_271 : memref<128x64xf32, #tpu.memory_space<vmem>>) dst(%dma_wait3A_277 : memref<204800x64xf32, #tpu.memory_space<hbm>>)
      } else {
      }
      %gt3A_254 = arith.constant 1 : i32
      %gt3A_255 = arith.cmpi sgt, %shift_right_arithmetic3A_217, %gt3A_254 : i32
      %convert_element_type3A_256 = arith.extui %gt3A_255 : i1 to i32
      %cond3A_257 = arith.constant 0 : i32
      %cond3A_258 = arith.cmpi ne, %convert_element_type3A_256, %cond3A_257 : i32
      scf.if %cond3A_258 {
        %dma_wait3A = arith.constant 0 : i32
        %dma_wait3A_269 = arith.constant 128 : i32
        %dma_wait3A_270 = arith.constant 0 : i32
        %dma_wait3A_271 = tpu.memref_slice %arg9[%dma_wait3A_269, %dma_wait3A_270] : memref<512x64xf32, #tpu.memory_space<vmem>> -> memref<128x64xf32, #tpu.memory_space<vmem>>
        %dma_wait3A_272 = arith.constant 0 : i32
        %dma_wait3A_273 = tpu.memref_slice %arg7[%dma_wait3A, %dma_wait3A_272] : memref<52x128xi32, #tpu.memory_space<vmem>> -> memref<1x128xi32, #tpu.memory_space<vmem>>
        %dma_wait3A_274 = tpu.memref_squeeze %dma_wait3A_273 : memref<1x128xi32, #tpu.memory_space<vmem>> -> memref<128xi32, #tpu.memory_space<vmem>>
        %dma_wait3A_275 = arith.constant 0 : i32
        %dma_wait3A_276 = arith.constant 0 : i32
        %dma_wait3A_277 = tpu.memref_slice %arg4[%dma_wait3A_275, %dma_wait3A_276] : memref<204800x64xf32, #tpu.memory_space<hbm>> -> memref<204800x64xf32, #tpu.memory_space<hbm>>
        tpu.wait_indirect_dma semaphore(%arg16 : memref<!tpu.dma_semaphore, #tpu.memory_space<semaphore_mem>>) src(%dma_wait3A_271 : memref<128x64xf32, #tpu.memory_space<vmem>>) dst(%dma_wait3A_277 : memref<204800x64xf32, #tpu.memory_space<hbm>>)
      } else {
      }
      %gt3A_259 = arith.constant 2 : i32
      %gt3A_260 = arith.cmpi sgt, %shift_right_arithmetic3A_217, %gt3A_259 : i32
      %convert_element_type3A_261 = arith.extui %gt3A_260 : i1 to i32
      %cond3A_262 = arith.constant 0 : i32
      %cond3A_263 = arith.cmpi ne, %convert_element_type3A_261, %cond3A_262 : i32
      scf.if %cond3A_263 {
        %dma_wait3A = arith.constant 0 : i32
        %dma_wait3A_269 = arith.constant 256 : i32
        %dma_wait3A_270 = arith.constant 0 : i32
        %dma_wait3A_271 = tpu.memref_slice %arg9[%dma_wait3A_269, %dma_wait3A_270] : memref<512x64xf32, #tpu.memory_space<vmem>> -> memref<128x64xf32, #tpu.memory_space<vmem>>
        %dma_wait3A_272 = arith.constant 0 : i32
        %dma_wait3A_273 = tpu.memref_slice %arg7[%dma_wait3A, %dma_wait3A_272] : memref<52x128xi32, #tpu.memory_space<vmem>> -> memref<1x128xi32, #tpu.memory_space<vmem>>
        %dma_wait3A_274 = tpu.memref_squeeze %dma_wait3A_273 : memref<1x128xi32, #tpu.memory_space<vmem>> -> memref<128xi32, #tpu.memory_space<vmem>>
        %dma_wait3A_275 = arith.constant 0 : i32
        %dma_wait3A_276 = arith.constant 0 : i32
        %dma_wait3A_277 = tpu.memref_slice %arg4[%dma_wait3A_275, %dma_wait3A_276] : memref<204800x64xf32, #tpu.memory_space<hbm>> -> memref<204800x64xf32, #tpu.memory_space<hbm>>
        tpu.wait_indirect_dma semaphore(%arg17 : memref<!tpu.dma_semaphore, #tpu.memory_space<semaphore_mem>>) src(%dma_wait3A_271 : memref<128x64xf32, #tpu.memory_space<vmem>>) dst(%dma_wait3A_277 : memref<204800x64xf32, #tpu.memory_space<hbm>>)
      } else {
      }
      %gt3A_264 = arith.constant 3 : i32
      %gt3A_265 = arith.cmpi sgt, %shift_right_arithmetic3A_217, %gt3A_264 : i32
      %convert_element_type3A_266 = arith.extui %gt3A_265 : i1 to i32
      %cond3A_267 = arith.constant 0 : i32
      %cond3A_268 = arith.cmpi ne, %convert_element_type3A_266, %cond3A_267 : i32
      scf.if %cond3A_268 {
        %dma_wait3A = arith.constant 0 : i32
        %dma_wait3A_269 = arith.constant 384 : i32
        %dma_wait3A_270 = arith.constant 0 : i32
        %dma_wait3A_271 = tpu.memref_slice %arg9[%dma_wait3A_269, %dma_wait3A_270] : memref<512x64xf32, #tpu.memory_space<vmem>> -> memref<128x64xf32, #tpu.memory_space<vmem>>
        %dma_wait3A_272 = arith.constant 0 : i32
        %dma_wait3A_273 = tpu.memref_slice %arg7[%dma_wait3A, %dma_wait3A_272] : memref<52x128xi32, #tpu.memory_space<vmem>> -> memref<1x128xi32, #tpu.memory_space<vmem>>
        %dma_wait3A_274 = tpu.memref_squeeze %dma_wait3A_273 : memref<1x128xi32, #tpu.memory_space<vmem>> -> memref<128xi32, #tpu.memory_space<vmem>>
        %dma_wait3A_275 = arith.constant 0 : i32
        %dma_wait3A_276 = arith.constant 0 : i32
        %dma_wait3A_277 = tpu.memref_slice %arg4[%dma_wait3A_275, %dma_wait3A_276] : memref<204800x64xf32, #tpu.memory_space<hbm>> -> memref<204800x64xf32, #tpu.memory_space<hbm>>
        tpu.wait_indirect_dma semaphore(%arg18 : memref<!tpu.dma_semaphore, #tpu.memory_space<semaphore_mem>>) src(%dma_wait3A_271 : memref<128x64xf32, #tpu.memory_space<vmem>>) dst(%dma_wait3A_277 : memref<204800x64xf32, #tpu.memory_space<hbm>>)
      } else {
      }
    } else {
    }
    %gt3A_27 = arith.constant 0 : i32
    %gt3A_28 = arith.cmpi sgt, %scan3A_14#1, %gt3A_27 : i32
    %convert_element_type3A_29 = arith.extui %gt3A_28 : i1 to i32
    %cond3A_30 = arith.constant 0 : i32
    %cond3A_31 = arith.cmpi ne, %convert_element_type3A_29, %cond3A_30 : i32
    scf.if %cond3A_31 {
      %while3A = arith.constant 0 : i32
      %while3A_32 = arith.constant 0 : i32
      %while3A_33 = arith.subi %shift_right_arithmetic3A_19, %while3A_32 : i32
      %while3A_34 = arith.addi %while3A_32, %while3A_33 : i32
      %while3A_35 = arith.constant 1 : i32
      %while3A_36 = arith.divsi %while3A_33, %while3A_35 : i32
      %while3A_37 = arith.muli %while3A_36, %while3A_35 : i32
      %while3A_38 = arith.addi %while3A_32, %while3A_37 : i32
      %while3A_39 = arith.constant 1 : i32
      scf.for %while3A_41 = %while3A_32 to %while3A_38 step %while3A_39  : i32 {
        %dma_wait3A = arith.constant 0 : i32
        %dma_wait3A_42 = tpu.memref_slice %arg8[%while3A_41, %dma_wait3A] : memref<52x128xi32, #tpu.memory_space<vmem>> -> memref<1x128xi32, #tpu.memory_space<vmem>>
        %dma_wait3A_43 = tpu.memref_squeeze %dma_wait3A_42 : memref<1x128xi32, #tpu.memory_space<vmem>> -> memref<128xi32, #tpu.memory_space<vmem>>
        %dma_wait3A_44 = arith.constant 0 : i32
        %dma_wait3A_45 = arith.constant 0 : i32
        %dma_wait3A_46 = tpu.memref_slice %arg4[%dma_wait3A_44, %dma_wait3A_45] : memref<204800x64xf32, #tpu.memory_space<hbm>> -> memref<204800x64xf32, #tpu.memory_space<hbm>>
        tpu.wait_indirect_dma semaphore(%arg19 : memref<!tpu.dma_semaphore, #tpu.memory_space<semaphore_mem>>) src(%arg10 : memref<128x64xf32, #tpu.memory_space<vmem>>) dst(%dma_wait3A_46 : memref<204800x64xf32, #tpu.memory_space<hbm>>)
      }
      %while3A_40 = arith.constant 1 : i32
      scf.for %while3A_41 = %while3A_38 to %while3A_34 step %while3A_40  : i32 {
        %dma_wait3A = arith.constant 0 : i32
        %dma_wait3A_42 = tpu.memref_slice %arg8[%while3A_41, %dma_wait3A] : memref<52x128xi32, #tpu.memory_space<vmem>> -> memref<1x128xi32, #tpu.memory_space<vmem>>
        %dma_wait3A_43 = tpu.memref_squeeze %dma_wait3A_42 : memref<1x128xi32, #tpu.memory_space<vmem>> -> memref<128xi32, #tpu.memory_space<vmem>>
        %dma_wait3A_44 = arith.constant 0 : i32
        %dma_wait3A_45 = arith.constant 0 : i32
        %dma_wait3A_46 = tpu.memref_slice %arg4[%dma_wait3A_44, %dma_wait3A_45] : memref<204800x64xf32, #tpu.memory_space<hbm>> -> memref<204800x64xf32, #tpu.memory_space<hbm>>
        tpu.wait_indirect_dma semaphore(%arg19 : memref<!tpu.dma_semaphore, #tpu.memory_space<semaphore_mem>>) src(%arg10 : memref<128x64xf32, #tpu.memory_space<vmem>>) dst(%dma_wait3A_46 : memref<204800x64xf32, #tpu.memory_space<hbm>>)
      }
    } else {
    }
    return
  }
}

</mosaic_0001>

<sc_bundles>
// kernel: kernel.3.cloned.1.call-start
scs
__scs_entry_jumppad:
0x0: {  	(pc) =	sbr.rel $0x88, $3  }
0x1: {  	(tag) =	ssettag $0x0;
	lr =	simm.s32 $0x1  }
0x2: {  	[smem:$0x3F9F] =	sst lr;
	_ =	strace $0xD0000000  }
0x3: {  	_ = 	snop  }
0x4: {  	_ = 	snop  }
0x5: {  	_ = 	snop  }
0x6: {  	_ = 	snop  }
0x7: {  	_ = 	snop  }
__scs_overlays_trampoline_lowered:
0x8: {  	[smem:$0x3FAE] =	sst s0  }
0x9: {  	[smem:$0x3FAF] =	sst s1  }
0xa: {  	[smem:$0x3FB0] =	sst s2  }
0xb: {  	[smem:$0x3FB1] =	sst s3  }
0xc: {  	[smem:$0x3FB2] =	sst s4  }
0xd: {  	[smem:$0x3FB3] =	sst s5  }
0xe: {  	[smem:$0x3FB4] =	sst s6  }
0xf: {  	[smem:$0x3FB5] =	sst s7  }
0x10: {  	[smem:$0x3FB6] =	sst s8  }
0x11: {  	[smem:$0x3FB7] =	sst s9;
	s0 =	simm.s32 @!p0 $0x0  }
0x12: {  	s1 =	sld [smem:$0x3F9D];
	s0 =	simm.s32 @p0 $0x1  }
0x13: {  	[smem:$0x3FB8] =	sst s0;
	s0 =	simm.s32 @!p1 $0x0  }
0x14: {  	s2 =	sld [smem:$0x3F9C];
	s0 =	simm.s32 @p1 $0x1  }
0x15: {  	[smem:$0x3FB9] =	sst s0;
	s0 =	simm.s32 @!p2 $0x0  }
0x16: {  	s3 =	sld [smem:$0x3FDB];
	s0 =	simm.s32 @p2 $0x1  }
0x17: {  	s4 =	simm.s32 $0x1BF5;
	[smem:$0x3FBB] =	sst s0  }
0x18: {  	s0 =	sld [smem:$0x3F9E];
	_ =	swait.ge [sflag:s4], $0x0  }
0x19: {  	s7 =	sld [smem:$0x3F9F]  }
0x1a: {  	s8 =	sadd.s32 $0xFFFFE003, lr  }
0x1b: {  	s9 =	sadd.s32 $0xFFFFFEF7, lr;
	s5 =	simm.s32 $0xFFFFFFFF;
	p2 =	slt.u32 s8, $0xFFFFF086  }
0x1c: {  	p1 =	slt.u32 s9, $0xF7A;
	s5 =	simm.s32 @!p2 $0x0  }
0x1d: {  	s5 =	simm.s32 @p1 $0x1;
	p0 =	seq.s32 s7, s2  }
0x1e: {  	s7 =	smul.u32 @!p0 $0xF7A, s2;
	p2 =	seq.s32 @!p0 s5, $0x0  }
0x1f: {  	s9 =	smul.u32 $0xF7A, s1;
	s8 =	simm.s32 @!p0 $0x1BF5;
	p2 =	por !p2, p0  }
0x20: {  	[sflag:s8] =	ssyncset.s32 @!p0 $0xFFFFF086;
	s6 =	sadd.s32 @!p0 s3, s7;
	s7 =	simm.s32 @!p0 $0x108  }
0x21: {  	s3 =	sadd.s32 s3, s9;
	s6 =	sadd.s32 @!p0 $0x88, s6;
	s7 =	simm.s32 @p2 $0x1082  }
0x22: {  	[simem:s7], [sflag:s8] =	dma.local @!p0 [hbm:s6], $0xF7A  }
0x23: {  	s9 =	sor.u32 $0xD0000000, s2;
	s6 =	simm.s32 $0x108;
	_ =	swait.ge @!p0 [sflag:s8], $0x0  }
0x24: {  	s3 =	sadd.s32 $0x88, s3;
	s6 =	simm.s32 @!p1 $0x1082;
	[sflag:s4] =	ssyncset.s32 $0xFFFFF086  }
0x25: {  	[simem:s6], [sflag:s4] =	dma.local [hbm:s3], $0xF7A  }
0x26: {  	[smem:$0x3F9F] =	sst s1;
	(tag) =	ssettag s2;
	_ =	strace s9  }
0x27: {  	s1 =	sld [smem:$0x3FAF]  }
0x28: {  	s2 =	sld [smem:$0x3FB0]  }
0x29: {  	s4 =	sld [smem:$0x3FB2]  }
0x2a: {  	p0 =	seq.s32 s5, $0x0;
	s5 =	sld [smem:$0x3FB3]  }
0x2b: {  	s6 =	sld [smem:$0x3FB4]  }
0x2c: {  	s7 =	sld [smem:$0x3FB5]  }
0x2d: {  	s3 =	simm.s32 $0x108;
	s8 =	sld [smem:$0x3FB6]  }
0x2e: {  	s3 =	simm.s32 @!p0 $0x1082;
	s9 =	sld [smem:$0x3FB7]  }
0x2f: {  	lr =	sadd.s32 s0, s3;
	s0 =	sld [smem:$0x3FAE]  }
0x30: {  	s3 =	sld [smem:$0x3FB1]  }
0x31: {  	[smem:$0x3FBA] =	sst s10  }
0x32: {  	s10 =	sld [smem:$0x3FB8];
	_ =	sdelay $0x3  }
0x33: {  	p0 =	seq.s32 s10, $0x1;
	s10 =	sld [smem:$0x3FBA];
	_ =	sdelay $0x3  }
0x34: {  	[smem:$0x3FBA] =	sst s10  }
0x35: {  	s10 =	sld [smem:$0x3FB9];
	_ =	sdelay $0x3  }
0x36: {  	p1 =	seq.s32 s10, $0x1;
	s10 =	sld [smem:$0x3FBA];
	_ =	sdelay $0x3  }
0x37: {  	[smem:$0x3FBA] =	sst s10  }
0x38: {  	s10 =	sld [smem:$0x3FBB]  }
0x39: {  	_ = 	snop;
	(pc) =	sbr.ind lr, $3  }
0x3a: {  	_ = 	snop  }
0x3b: {  	_ = 	snop  }
0x3c: {  	p2 =	seq.s32 s10, $0x1;
	s10 =	sld [smem:$0x3FBA]  }
0x3d: {  	_ =	shalt  }
0x3e: {  	_ =	shalt  }
0x3f: {  	_ =	shalt  }
0x40: {  	_ =	shalt  }
0x41: {  	_ =	shalt  }
0x42: {  	_ =	shalt  }
0x43: {  	_ =	shalt  }
0x44: {  	_ =	shalt  }
0x45: {  	_ =	shalt  }
0x46: {  	_ =	shalt  }
0x47: {  	_ =	shalt  }
0x48: {  	_ =	shalt  }
0x49: {  	_ =	shalt  }
0x4a: {  	_ =	shalt  }
0x4b: {  	_ =	shalt  }
0x4c: {  	_ =	shalt  }
0x4d: {  	_ =	shalt  }
0x4e: {  	_ =	shalt  }
0x4f: {  	_ =	shalt  }
0x50: {  	_ =	shalt  }
0x51: {  	_ =	shalt  }
0x52: {  	_ =	shalt  }
0x53: {  	_ =	shalt  }
0x54: {  	_ =	shalt  }
0x55: {  	_ =	shalt  }
0x56: {  	_ =	shalt  }
0x57: {  	_ =	shalt  }
0x58: {  	_ =	shalt  }
0x59: {  	_ =	shalt  }
0x5a: {  	_ =	shalt  }
0x5b: {  	_ =	shalt  }
0x5c: {  	_ =	shalt  }
0x5d: {  	_ =	shalt  }
0x5e: {  	_ =	shalt  }
0x5f: {  	_ =	shalt  }
0x60: {  	_ =	shalt  }
0x61: {  	_ =	shalt  }
0x62: {  	_ =	shalt  }
0x63: {  	_ =	shalt  }
0x64: {  	_ =	shalt  }
0x65: {  	_ =	shalt  }
0x66: {  	_ =	shalt  }
0x67: {  	_ =	shalt  }
0x68: {  	_ =	shalt  }
0x69: {  	_ =	shalt  }
0x6a: {  	_ =	shalt  }
0x6b: {  	_ =	shalt  }
0x6c: {  	_ =	shalt  }
0x6d: {  	_ =	shalt  }
0x6e: {  	_ =	shalt  }
0x6f: {  	_ =	shalt  }
0x70: {  	_ =	shalt  }
0x71: {  	_ =	shalt  }
0x72: {  	_ =	shalt  }
0x73: {  	_ =	shalt  }
0x74: {  	_ =	shalt  }
0x75: {  	_ =	shalt  }
0x76: {  	_ =	shalt  }
0x77: {  	_ =	shalt  }
0x78: {  	_ =	shalt  }
0x79: {  	_ =	shalt  }
0x7a: {  	_ =	shalt  }
0x7b: {  	_ =	shalt  }
0x7c: {  	_ =	shalt  }
0x7d: {  	_ =	shalt  }
0x7e: {  	_ =	shalt  }
0x7f: {  	_ =	shalt  }
0x80: {  	_ =	shalt  }
0x81: {  	_ =	shalt  }
0x82: {  	_ =	shalt  }
0x83: {  	_ =	shalt  }
0x84: {  	_ =	shalt  }
0x85: {  	_ =	shalt  }
0x86: {  	_ =	shalt  }
0x87: {  	_ =	shalt  }
.Lfunc_end0:
.L_simem_size_0:
called_computation.1_lowered:
.L_overlay_start_0:
0x88: {  	s2 =	sld [smem:$0x3FD9]  }
0x89: {  	s3 =	sld [smem:$0x3FFE];
	_ =	sdelay $0x1  }
0x8a: {  	s1 =	srdreg.scid  }
0x8b: {  	s0 =	sand.u32 $0x1, s1  }
0x8c: {  	s17 =	sshll.u32 s0, $0xA;
	s2 =	sadd.s32 s3, s2  }
0x8d: {  	s2 =	sadd.s32 s2, s17  }
0x8e: {  	[smem:$0x3FC6] =	sst s2  }
0x8f: {  	_ = 	snop  }
0x90: {  	s2 =	sld [smem:$0x3FD0];
	(tm) =	ssettm $0x1  }
0x91: {  	s18 =	sld [smem:$0x3FFB];
	_ =	sdelay $0x3  }
0x92: {  	_ =	strace s18  }
0x93: {  	s3 =	sld [smem:$0x3FFC];
	_ =	sdelay $0x3  }
0x94: {  	_ =	strace s3  }
0x95: {  	s3 =	sld [smem:$0x3FFD];
	_ =	sdelay $0x3  }
0x96: {  	_ =	strace s3  }
0x97: {  	_ =	strace $0x8FFFFFFF  }
0x98: {  	s19 =	sld [smem:$0x3FDB];
	_ =	sdelay $0x1  }
0x99: {  	s4 =	simm.s32 $_scs_section_size  }
0x9a: {  	s5 =	simm.s32 $_size__tile_overlayer_lowered;
	s6 =	simm.s32 $_tile_overlayer_lowered  }
0x9b: {  	s22 =	simm.s32 $0x1BFF;
	s21 =	sshll.u32 s6, $0x1;
	s3 =	sadd.s32 s4, s19  }
0x9c: {  	s7 =	simm.s32 $0x0;
	s20 =	sshll.u32 s5, $0x1;
	s5 =	sadd.s32 s21, s3  }
0x9d: {  	[timem:s7], [sflag:s22] =	dma.local [hbm:s5], s20  }
0x9e: {  	_ =	swait.ge [sflag:s22], s20  }
0x9f: {  	s4 =	ssub.s32 $0x0, s20;
	[sflag:s22] =	ssyncset.done $0x0  }
0xa0: {  	[sflag:s22] =	ssyncadd.s32 s4;
	_ =	sdelay $0x1  }
0xa1: {  	s23 =	simm.s32 $0x1B8B  }
0xa2: {  	_ =	swait.ge [sflag:s23], $0x1  }
0xa3: {  	[sflag:s23] =	ssyncset.done $0x0  }
0xa4: {  	s25 =	simm.s32 $0x1B8E;
	s24 =	sld [smem:$0x3FFE];
	[sflag:s23] =	ssyncadd.s32 $0xFFFFFFFF  }
0xa5: {  	s26 =	simm.s32 $execute0_lowered;
	[smem:$0x3FD2] =	sst s25  }
0xa6: {  	s5 =	sshll.u32 s26, $0x1;
	_ =	strace $0x80000046;
	[dreg:$0x1] =	wrdreg $0xFFFFFFFF  }
0xa7: {  	s28 =	simm.s32 $_size_execute0_lowered;
	s3 =	sadd.s32 s3, s5;
	[dreg:$0x0] =	wrdreg $0x0  }
0xa8: {  	s5 =	sshll.u32 s28, $0x1;
	[dreg:$0x2] =	wrdreg s3  }
0xa9: {  	[dreg:$0x3] =	wrdreg s5  }
0xaa: {  	[dreg:$0x4] =	wrdreg $0xC0  }
0xab: {  	_ =	task [dreg:s7], $0x5FFFF  }
0xac: {  	[dreg:$0x1] =	wrdreg $0xFFFFFFFF  }
0xad: {  	[dreg:$0x0] =	wrdreg $0x60  }
0xae: {  	[dreg:$0x2] =	wrdreg s24  }
0xaf: {  	[dreg:$0x3] =	wrdreg s2  }
0xb0: {  	[dreg:$0x4] =	wrdreg $0x9  }
0xb1: {  	_ =	task.clear_ibuf [dreg:s7], $0x5FFFF;
	_ =	strace $0x90000046  }
0xb2: {  	s29 =	simm.s32 $0x9;
	_ =	strace $0x80000048  }
0xb3: {  	_ =	swait.ge [sflag:s29], $0x1  }
0xb4: {  	[sflag:s29] =	ssyncadd.s32 $0xFFFFFFFF  }
0xb5: {  	_ =	strace $0x90000048  }
0xb6: {  	_ =	sfence  }
0xb7: {  	s30 =	sld [smem:$0x0];
	_ =	sdelay $0x2  }
0xb8: {  	s31 =	sshll.u32 s1, $0xD;
	s1 =	sshrl.u32 s1, $0x2  }
0xb9: {  	s3 =	sand.u32 $0x4000, s31;
	s1 =	sadd.s32 s1, s30  }
0xba: {  	s0 =	sor.u32 s3, s0;
	s1 =	sshll.u32 s1, $0x11  }
0xbb: {  	s0 =	sor.u32 s1, s0  }
0xbc: {  	s0 =	sadd.s32 $0x8F2B, s0  }
0xbd: {  	[sflag:s0] =	ssyncadd.remote.s32 $0x1  }
0xbe: {  	_ =	sfence.sel $0xFFFF  }
0xbf: {  	[dreg:$0x0] =	wrdreg $0xFFFFFFFF;
	(pc) =	sbr.abs _section_cstart, $3  }
0xc0: {  	[dreg:$0x1] =	wrdreg $0xFFFFFFFF  }
0xc1: {  	_ =	task.clear_ibuf [dreg:s7], $0x2FFFF;
	_ =	strace $0x9FFFFFFF  }
0xc2: {  	(tm) =	ssettm $0x7FFFFFFF  }
0xc3: {  	_ =	shalt  }
tec
execute0_lowered:
.L_overlay_start_1:
0x0: {  	(tag) =	ssettag $0x1  }
0x1: {  	s0 =	rddreg [dreg:$0x0]  }
0x2: {  	s1 =	srdreg.scid;
	s6 =	stileid.u32  }
0x3: {  	s2 =	rddreg [dreg:$0x1];
	s31 =	simm.s32 $0x0;
	s8 =	simm.s32 $0xA  }
0x4: {  	s9 =	simm.s32 $0x1900;
	s10 =	simm.s32 $0x3300;
	s11 =	simm.s32 $0x4D00  }
0x5: {  	s12 =	simm.s32 $0x80;
	s1 =	sand.u32 $0x1, s1;
	s3 =	sshll.u32 s6, $0x1  }
0x6: {  	s13 =	simm.s32 $0xE700;
	s14 =	simm.s32 $0x9;
	s3 =	sor.u32 s1, s3  }
0x7: {  	s15 =	simm.s32 $0x0;
	s4 =	ssub.s32 $0x2, s1;
	s3 =	smul.u32 $0x1900, s3  }
.Ltmp0:
0x8: {  	[smem:$0x7FF] =	sst s31;
	s5 =	sshrl.u32 s4, $0x1;
	(pc) =	sbr.rel .LBB2_1-.Ltmp0, $4  }
0x9: {  	s7 =	smul.u32 $0x3200, s6;
	s30 =	ssub.s32 s4, s5;
	s3 =	sshrl.u32 s3, $0x3  }
0xa: {  	s1 =	smul.u32 $0x1900, s1;
	s6 =	smax.u32 s30, $0x1;
	s3 =	sadd.s32 s3, s0  }
0xb: {  	_ =	strace $0x80000047;
	[dreg:$0x4] =	wrdreg s6;
	s5 =	sadd.s32 $0xA00, s3  }
0xc: {  	v0 =	vimm.f32 $0.0e+00;
	v1 =	vimm.s32 $0x0;
	v2 =	vlaneseq.u32;
	s4 =	sadd.s32 $0x3D1400, s0;
	s7 =	sadd.s32 s1, s7;
	[dreg:$0x3] =	wrdreg s5  }
.LBB2_21:
0xd: {  	[sflag:s14] =	ssyncadd.s32 $0xFFFFE000  }
.LBB2_22:
0xe: {  	s15 =	sadd.s32 $0x1, s15  }
0xf: {  	p0 =	sne.s32 s15, s6  }
.Ltmp1:
0x10: {  	_ = 	snop;
	(pc) =	sbr.rel @!p0 .LBB2_23-.Ltmp1, $1  }
0x11: {  	_ =	sdelay $0x3  }
.LBB2_1:
0x12: {  	[tilespmem:s31], [sflag:$0xA] =	stream.linear.gather [hbm4b:s5+s31], $0x1900, $0x38;
	[tilespmem:$0x10700] =	vst v63  }
0x13: {  	_ =	swait.ge [sflag:s8], $0x1900  }
0x14: {  	[sflag:s8] =	ssyncset.done $0x0  }
0x15: {  	s0 =	simm.s32 $0x0;
	[sflag:s8] =	ssyncadd.s32 $0xFFFFE700  }
.LBB2_2:
0x16: {  	p0 =	sne.s32 s0, $0x7F00  }
.Ltmp2:
0x17: {  	s1 =	sshra.s32 s0, $0x2;
	(pc) =	sbr.rel @p0 .LBB2_2-.Ltmp2, $4  }
0x18: {  	[tilespmem:s1+$0xE700] =	vst v0  }
0x19: {  	[tilespmem:s1+$0xE710] =	vst v0  }
0x1a: {  	[tilespmem:s1+$0xE720] =	vst v0  }
0x1b: {  	s0 =	sadd.s32 $0x100, s0;
	[tilespmem:s1+$0xE730] =	vst v0  }
0x1c: {  	s0 =	simm.s32 $0x0  }
0x1d: {  	v3 =	vld [tilespmem:s0+$0x0];
	_ =	sdelay $0x4  }
0x1e: {  	vm1 =	vlt.u32 v3, $0x3D090  }
0x1f: {  	v4 =	vsel vm1, $0x1, v1  }
0x20: {  	(xrf0) =	vadd.scan.msk.s32 $0xffff, v4;
	_ =	sdelay $0x1  }
0x21: {  	s17 =	simm.s32 $0x0;
	vm0 =	vge.u32 v3, $0x3D090  }
0x22: {  	v5 =	vsel vm0, $0x1, v1;
	v4 =	vmov s17  }
0x23: {  	v4 =	vadd.s32 $0xFFFFFFFF, v4  }
0x24: {  	(xrf0) =	vadd.scan.msk.s32 $0xffff, v5;
	v4 =	vbroadcast v4, $0x0  }
0x25: {  	v5, _, _ =	vpop (xrf0)  }
0x26: {  	v6 =	vadd.s32 v5, v4  }
0x27: {  	vm2 =	vgt.s32 v6, $0x0  }
0x28: {  	v6 =	vnsel vm2, $0x0, v6  }
0x29: {  	(v2sf) =	vpush v5, $0xF  }
0x2a: {  	v7, _, _ =	vpop (xrf0)  }
0x2b: {  	v7 =	vadd.s32 v7, v4  }
0x2c: {  	vm2 =	vgt.s32 v7, $0x0  }
0x2d: {  	[tilespmem:v6+s9+$0x0] =	vst.idx.msk vm1, v3;
	v3 =	vnsel vm2, $0x0, v7;
	_ =	sdelay $0x2  }
0x2e: {  	s18 =	simm.s32 $0x40;
	v4 =	vor.u32 s7, v2  }
0x2f: {  	s1 =	simm.s32 $0x0;
	s16 =	smov.u32 s7;
	s0 =	simm.s32 $0x80;
	[tilespmem:v6+s10+$0x0] =	vst.idx.msk vm1, v4  }
.LBB2_4:
0x30: {  	p0 =	sne.s32 s0, $0x63C0;
	s3 =	sshra.s32 s18, $0x2;
	[tilespmem:v3+s11+$0x0] =	vst.idx.msk vm0, v4;
	s18 =	smov.u32 s0  }
0x31: {  	v5 =	vld [tilespmem:s3+$0x0];
	_ =	sdelay $0x4  }
0x32: {  	vm0 =	vge.u32 v5, $0x3D090;
	vm1 =	vlt.u32 v5, $0x3D090;
	s3 =	spop (v2sf)  }
0x33: {  	v3 =	vsel vm1, $0x1, v1;
	s17 =	sadd.s32 s17, s3;
	s1 =	ssub.s32 s1, s3  }
0x34: {  	v4 =	vmov s17;
	(xrf0) =	vadd.scan.msk.s32 $0xffff, v3;
	s1 =	sadd.s32 $0x10, s1  }
0x35: {  	v3 =	vadd.s32 $0xFFFFFFFF, v4;
	v4 =	vsel vm0, $0x1, v1  }
0x36: {  	v3 =	vbroadcast v3, $0x0;
	(xrf0) =	vadd.scan.msk.s32 $0xffff, v4;
	_ =	sdelay $0x2  }
0x37: {  	v4 =	vmov s1  }
0x38: {  	v4 =	vadd.s32 $0xFFFFFFFF, v4;
	v6, _, _ =	vpop (xrf0)  }
0x39: {  	v4 =	vbroadcast v4, $0x0;
	v3 =	vadd.s32 v6, v3;
	(v2sf) =	vpush v6, $0xF  }
0x3a: {  	vm2 =	vgt.s32 v3, $0x0;
	v6, _, _ =	vpop (xrf0)  }
0x3b: {  	v7 =	vnsel vm2, $0x0, v3;
	v3 =	vadd.s32 v6, v4  }
0x3c: {  	vm2 =	vgt.s32 v3, $0x0  }
.Ltmp3:
0x3d: {  	v3 =	vnsel vm2, $0x0, v3;
	(pc) =	sbr.rel @p0 .LBB2_4-.Ltmp3, $4  }
0x3e: {  	_ = 	snop  }
0x3f: {  	s16 =	sadd.s32 $0x10, s16  }
0x40: {  	v4 =	vor.u32 s16, v2;
	[tilespmem:v7+s9+$0x0] =	vst.idx.msk vm1, v5  }
0x41: {  	s0 =	sadd.s32 $0x40, s0;
	[tilespmem:v7+s10+$0x0] =	vst.idx.msk vm1, v4  }
0x42: {  	_ =	sdelay $0x4  }
0x43: {  	s0 =	sshra.s32 s18, $0x2;
	[tilespmem:v3+s11+$0x0] =	vst.idx.msk vm0, v4  }
0x44: {  	v3 =	vld [tilespmem:s0+$0x0];
	_ =	sdelay $0x4  }
0x45: {  	vm14 =	vlt.u32 v3, $0x3D090  }
0x46: {  	v60 =	vsel vm14, $0x1, v1  }
0x47: {  	(xrf0) =	vadd.scan.msk.s32 $0xffff, v60;
	_ =	sdelay $0x5  }
0x48: {  	v4, _, _ =	vpop (xrf0)  }
0x49: {  	(v2sf) =	vpush v4, $0xF;
	_ =	sdelay $0x7  }
0x4a: {  	vm1 =	vge.u32 v3, $0x3D090  }
0x4b: {  	s28 =	spop (v2sf);
	v5 =	vsel vm1, $0x1, v1  }
0x4c: {  	s3 =	sadd.s32 s17, s28;
	(xrf0) =	vadd.scan.msk.s32 $0xffff, v5  }
0x4d: {  	s0 =	ssub.s32 s1, s28;
	v61 =	vmov s3  }
0x4e: {  	s0 =	sadd.s32 $0x10, s0;
	v5 =	vadd.s32 $0xFFFFFFFF, v61  }
0x4f: {  	v6 =	vmov s0;
	v5 =	vbroadcast v5, $0x0  }
0x50: {  	v6 =	vadd.s32 $0xFFFFFFFF, v6  }
0x51: {  	v62 =	vbroadcast v6, $0x0;
	v4 =	vadd.s32 v4, v5;
	s29 =	spop (v2sf)  }
0x52: {  	vm2 =	vgt.s32 v4, $0x0;
	v63, _, _ =	vpop (xrf0);
	s0 =	ssub.s32 s0, s29  }
0x53: {  	v4 =	vnsel vm2, $0x0, v4;
	v5 =	vadd.s32 v63, v62;
	s0 =	sadd.s32 $0x10, s0  }
0x54: {  	vm15 =	vgt.s32 v5, $0x0;
	p1 =	slt.s32 s0, $0x1  }
0x55: {  	v5 =	vnsel vm15, $0x0, v5;
	s1 =	sadd.s32 @!p1 $0xFFFFFFFF, s0  }
0x56: {  	v6 =	vmov @!p1 s1  }
0x57: {  	s30 =	sadd.s32 $0x10, s16  }
0x58: {  	v7 =	vor.u32 s30, v2;
	[tilespmem:v4+s9+$0x0] =	vst.idx.msk vm14, v3  }
0x59: {  	[tilespmem:v4+s10+$0x0] =	vst.idx.msk vm14, v7  }
0x5a: {  	[tilespmem:v5+s11+$0x0] =	vst.idx.msk vm1, v7;
	v3 =	vlaneseq.u32 @!p1;
	s1 =	simm.s32 @!p1 $0x4D00  }
0x5b: {  	s16 =	sadd.s32 @!p1 $0x10, s0;
	v5 =	vadd.s32 @!p1 s0, v3;
	v4 =	vld.idx.msk @!p1 [tilespmem:v6+s1+$0x0], $0xffff  }
0x5c: {  	v6 =	vadd.s32 @!p1 s16, v3;
	s16 =	sadd.s32 @!p1 $0x20, s0  }
0x5d: {  	v7 =	vadd.s32 @!p1 s16, v3;
	s16 =	sadd.s32 @!p1 $0x30, s0  }
0x5e: {  	v8 =	vadd.s32 @!p1 s16, v3;
	s16 =	sadd.s32 @!p1 $0x40, s0  }
0x5f: {  	v9 =	vadd.s32 @!p1 s16, v3;
	s16 =	sadd.s32 @!p1 $0x50, s0  }
0x60: {  	[tilespmem:v5+s1+$0x0] =	vst.idx.msk @!p1 $0xffff, v4;
	v5 =	vadd.s32 @!p1 s16, v3;
	s16 =	sadd.s32 @!p1 $0x60, s0  }
0x61: {  	[tilespmem:v6+s1+$0x0] =	vst.idx.msk @!p1 $0xffff, v4;
	v6 =	vadd.s32 @!p1 s16, v3;
	s16 =	sadd.s32 @!p1 $0x70, s0;
	s0 =	sadd.s32 $0x7F, s0  }
0x62: {  	v3 =	vadd.s32 @!p1 s16, v3;
	s16 =	sshra.s32 s0, $0x7  }
0x63: {  	p0 =	slt.s32 @!p1 s16, $0x1  }
0x64: {  	[tilespmem:v7+s1+$0x0] =	vst.idx.msk @!p1 $0xffff, v4;
	p6 =	por p1, p0  }
.Ltmp4:
0x65: {  	[tilespmem:v8+s1+$0x0] =	vst.idx.msk @!p1 $0xffff, v4;
	(pc) =	sbr.rel @p6 .LBB2_8-.Ltmp4, $4  }
0x66: {  	[tilespmem:v9+s1+$0x0] =	vst.idx.msk @!p1 $0xffff, v4  }
0x67: {  	[tilespmem:v5+s1+$0x0] =	vst.idx.msk @!p1 $0xffff, v4  }
0x68: {  	[tilespmem:v6+s1+$0x0] =	vst.idx.msk @!p1 $0xffff, v4  }
0x69: {  	s0 =	sadd.s32 s3, s29;
	[tilespmem:v3+s1+$0x0] =	vst.idx.msk @!p1 $0xffff, v4  }
0x6a: {  	p0 =	sne.s32 s16, $0x1  }
.Ltmp5:
0x6b: {  	_ = 	snop;
	(pc) =	sbr.rel @!p0 .LBB2_8-.Ltmp5, $3  }
0x6c: {  	_ =	sdelay $0x1  }
0x6d: {  	[hbm4b:s2+s12] =	stream.indirect.scatter [tilespmem:s13], [sflag:$0x9], $0x40, s1, s12, $0xb8;
	[tilespmem:$0x10700] =	vst v63  }
0x6e: {  	s3 =	sadd.s32 $0xFFFFFFFF, s16  }
.LBB2_7:
0x6f: {  	p0 =	sne.s32 s3, $0x1  }
.Ltmp6:
0x70: {  	_ = 	snop;
	(pc) =	sbr.rel @p0 .LBB2_7-.Ltmp6, $3  }
0x71: {  	_ = 	snop  }
0x72: {  	s3 =	sadd.s32 $0xFFFFFFFF, s3;
	s1 =	sadd.s32 $0x80, s1;
	_ =	sdelay $0x1  }
0x73: {  	[hbm4b:s2+s12] =	stream.indirect.scatter [tilespmem:s13], [sflag:$0x9], $0x40, s1, s12, $0xb8;
	[tilespmem:$0x10700] =	vst v63  }
.LBB2_8:
0x74: {  	p0 =	slt.s32 s0, $0x1  }
.Ltmp7:
0x75: {  	_ = 	snop;
	(pc) =	sbr.rel @p0 .LBB2_18-.Ltmp7, $1  }
0x76: {  	_ =	sdelay $0x3  }
0x77: {  	s1 =	sadd.s32 $0xFFFFFFFF, s0  }
0x78: {  	v3 =	vmov s1;
	_ =	sdelay $0x4  }
0x79: {  	v5 =	vadd.s32 s0, v2;
	s20 =	sadd.s32 $0x10, s0;
	v4 =	vld.idx.msk [tilespmem:v3+s9+$0x0], $0xffff  }
0x7a: {  	s21 =	sadd.s32 $0x20, s0;
	v6 =	vadd.s32 s20, v2  }
0x7b: {  	s22 =	sadd.s32 $0x30, s0;
	v7 =	vadd.s32 s21, v2  }
0x7c: {  	s23 =	sadd.s32 $0x40, s0;
	v8 =	vadd.s32 s22, v2  }
0x7d: {  	s24 =	sadd.s32 $0x50, s0;
	v9 =	vadd.s32 s23, v2  }
0x7e: {  	s25 =	sadd.s32 $0x60, s0;
	v10 =	vadd.s32 s24, v2;
	[tilespmem:v5+s9+$0x0] =	vst.idx.msk $0xffff, v4  }
0x7f: {  	s26 =	sadd.s32 $0x70, s0;
	v11 =	vadd.s32 s25, v2;
	[tilespmem:v6+s9+$0x0] =	vst.idx.msk $0xffff, v4  }
0x80: {  	v12 =	vadd.s32 s26, v2;
	[tilespmem:v7+s9+$0x0] =	vst.idx.msk $0xffff, v4  }
0x81: {  	[tilespmem:v8+s9+$0x0] =	vst.idx.msk $0xffff, v4  }
0x82: {  	[tilespmem:v9+s9+$0x0] =	vst.idx.msk $0xffff, v4  }
0x83: {  	[tilespmem:v10+s9+$0x0] =	vst.idx.msk $0xffff, v4  }
0x84: {  	s28 =	sadd.s32 $0x7F, s0;
	[tilespmem:v11+s9+$0x0] =	vst.idx.msk $0xffff, v4  }
0x85: {  	s17 =	sshra.s32 s28, $0x7;
	[tilespmem:v12+s9+$0x0] =	vst.idx.msk $0xffff, v4  }
0x86: {  	s0 =	sadd.s32 $0x3, s17;
	v3 =	vld.idx.msk [tilespmem:v3+s10+$0x0], $0xffff  }
0x87: {  	s29 =	sand.u32 $0x3, s0  }
0x88: {  	p0 =	slt.s32 s17, $0xFFFFFFFE;
	p1 =	sne.s32 s29, $0x0  }
0x89: {  	s30 =	sshrl.u32 s0, $0x1E;
	p0 =	por !p0, !p1  }
0x8a: {  	s1 =	simm.s32 $0x1;
	s0 =	sadd.s32 s30, s0;
	p0 =	por !p0, !p0  }
0x8b: {  	s0 =	sshra.s32 s0, $0x2;
	s1 =	simm.s32 @!p0 $0x0;
	[tilespmem:v5+s10+$0x0] =	vst.idx.msk $0xffff, v3  }
0x8c: {  	s0 =	ssub.s32 s0, s1;
	[tilespmem:v6+s10+$0x0] =	vst.idx.msk $0xffff, v3  }
0x8d: {  	p0 =	slt.s32 s0, $0x1;
	[tilespmem:v7+s10+$0x0] =	vst.idx.msk $0xffff, v3  }
.Ltmp8:
0x8e: {  	[tilespmem:v8+s10+$0x0] =	vst.idx.msk $0xffff, v3;
	(pc) =	sbr.rel @p0 .LBB2_17-.Ltmp8, $4  }
0x8f: {  	[tilespmem:v9+s10+$0x0] =	vst.idx.msk $0xffff, v3  }
0x90: {  	[tilespmem:v10+s10+$0x0] =	vst.idx.msk $0xffff, v3  }
0x91: {  	[tilespmem:v11+s10+$0x0] =	vst.idx.msk $0xffff, v3  }
0x92: {  	s18 =	simm.s32 $0x0;
	[tilespmem:v12+s10+$0x0] =	vst.idx.msk $0xffff, v3  }
0x93: {  	s0 =	sadd.s32 $0xFFFFFFFF, s0  }
0x94: {  	p0 =	sne.s32 s0, $0x0  }
.Ltmp9:
0x95: {  	_ = 	snop;
	(pc) =	sbr.rel @!p0 .LBB2_11-.Ltmp9, $4  }
0x96: {  	s1 =	simm.s32 @!p6 $0x0  }
0x97: {  	p1 =	sge.s32 s18, s17;
	s21 =	sadd.s32 $0x3, s18;
	s29 =	sadd.s32 $0x2, s18  }
0x98: {  	p4 =	por $0x0, $0x0;
	s1 =	simm.s32 @p6 $0x1;
	p2 =	seq.s32 @!p1 s18, $0x0  }
0x99: {  	s19 =	simm.s32 @!p1 $0x6700;
	[smem:$0x7FD] =	sst s1;
	p6 =	por p2, p1  }
0x9a: {  	s1 =	sadd.s32 $0x1, s18  }
0x9b: {  	s3 =	sshra.s32 @!p1 s18, $0x2;
	s23 =	simm.s32 @!p1 $0x80;
	p2 =	sge.s32 s29, s17  }
0x9c: {  	p4 =	sge.s32 s1, s17;
	s1 =	simm.s32 @!p6 $0x5;
	s22 =	sadd.s32 @!p1 $0x1900, s3  }
0x9d: {  	p3 =	seq.s32 @!p2 s18, $0x0;
	p0 =	seq.s32 @!p4 s18, $0x0;
	_ =	swait.ge @!p6 [sflag:s1], $0x2000  }
0x9e: {  	s24 =	simm.s32 @!p2 $0x80;
	p0 =	por p0, p4;
	[sflag:s1] =	ssyncset.done @!p6 $0x0  }
0x9f: {  	s31 =	simm.s32 @!p4 $0x8700;
	s20 =	simm.s32 @!p0 $0x6;
	[sflag:s1] =	ssyncadd.s32 @!p6 $0xFFFFE000  }
0xa0: {  	[tilespmem:s19], [sflag:$0x1] =	stream.indirect.gather @!p1 [hbm4b:s4+s23], $0x40, s22, s23, $0xb8;
	[tilespmem:$0x10700] =	vst v63  }
0xa1: {  	p5 =	por p3, p2;
	s29 =	simm.s32 @!p4 $0x80;
	_ =	swait.ge @!p0 [sflag:s20], $0x2000  }
0xa2: {  	p3 =	sge.s32 s21, s17;
	s1 =	sshra.s32 @!p4 s18, $0x2;
	[sflag:s20] =	ssyncset.done @!p0 $0x0  }
0xa3: {  	s22 =	sadd.s32 @!p4 $0x1980, s1;
	[sflag:s20] =	ssyncadd.s32 @!p0 $0xFFFFE000;
	s20 =	simm.s32 @!p5 $0x7  }
0xa4: {  	[tilespmem:s31], [sflag:$0x2] =	stream.indirect.gather @!p4 [hbm4b:s4+s29], $0x40, s22, s29, $0xb8;
	[tilespmem:$0x10700] =	vst v63  }
0xa5: {  	s21 =	sshra.s32 @!p2 s18, $0x2;
	p0 =	seq.s32 @!p3 s18, $0x0;
	_ =	swait.ge @!p5 [sflag:s20], $0x2000  }
0xa6: {  	s25 =	sadd.s32 @!p2 $0x1A00, s21;
	p0 =	por p0, p3;
	[sflag:s20] =	ssyncset.done @!p5 $0x0  }
0xa7: {  	s22 =	simm.s32 @!p2 $0xA700;
	[sflag:s20] =	ssyncadd.s32 @!p5 $0xFFFFE000;
	s20 =	simm.s32 @!p0 $0x8  }
0xa8: {  	[tilespmem:s22], [sflag:$0x3] =	stream.indirect.gather @!p2 [hbm4b:s4+s24], $0x40, s25, s24, $0xb8;
	[tilespmem:$0x10700] =	vst v63  }
0xa9: {  	s5 =	simm.s32 @!p1 $0x1;
	_ =	swait.ge @!p0 [sflag:s20], $0x2000  }
0xaa: {  	s28 =	simm.s32 @!p3 $0x80;
	s25 =	sshra.s32 @!p3 s18, $0x2;
	[sflag:s20] =	ssyncset.done @!p0 $0x0  }
0xab: {  	s26 =	simm.s32 @!p3 $0xC700;
	s30 =	sadd.s32 @!p3 $0x1A80, s25;
	[sflag:s20] =	ssyncadd.s32 @!p0 $0xFFFFE000  }
0xac: {  	[tilespmem:s26], [sflag:$0x4] =	stream.indirect.gather @!p3 [hbm4b:s4+s28], $0x40, s30, s28, $0xb8;
	[tilespmem:$0x10700] =	vst v63  }
0xad: {  	_ =	swait.ge @!p1 [sflag:s5], $0x2000  }
0xae: {  	s3 =	sadd.s32 @!p1 $0x3300, s3;
	s1 =	sadd.s32 @!p4 $0x3380, s1;
	[sflag:s5] =	ssyncset.done @!p1 $0x0  }
0xaf: {  	s25 =	sadd.s32 @!p3 $0x3480, s25;
	s20 =	sadd.s32 $0x800, s18;
	[sflag:s5] =	ssyncadd.s32 @!p1 $0xFFFFE000  }
0xb0: {  	[hbm4b:s2+s23] =	stream.indirect.scatter @!p1 [tilespmem:s19], [sflag:$0x5], $0x40, s3, s23, $0xb8;
	[tilespmem:$0x10700] =	vst v63  }
0xb1: {  	s18 =	sadd.s32 $0x4, s18;
	s30 =	sadd.s32 @!p2 $0x3400, s21;
	s23 =	sadd.s32 $0xFFFFFFFF, s0  }
0xb2: {  	s21 =	simm.s32 @!p4 $0x2;
	p1 =	sge.s32 s18, s17;
	p0 =	sne.s32 s23, $0x0  }
.Ltmp10:
0xb3: {  	s0 =	simm.s32 @!p2 $0x3;
	_ =	swait.ge @!p4 [sflag:s21], $0x2000;
	(pc) =	sbr.rel @!p0 .LBB2_13-.Ltmp10, $4  }
0xb4: {  	p5 =	seq.s32 @!p1 s18, $0x0;
	s19 =	simm.s32 @!p1 $0x6700;
	[sflag:s21] =	ssyncset.done @!p4 $0x0  }
0xb5: {  	p6 =	por p5, p1;
	[sflag:s21] =	ssyncadd.s32 @!p4 $0xFFFFE000;
	s21 =	sadd.s32 $0x3, s18  }
0xb6: {  	[hbm4b:s2+s29] =	stream.indirect.scatter @!p4 [tilespmem:s31], [sflag:$0x6], $0x40, s1, s29, $0xb8;
	[tilespmem:$0x10700] =	vst v63  }
0xb7: {  	s29 =	sadd.s32 $0x2, s18;
	p4 =	por $0x1, $0x1;
	_ =	swait.ge @!p2 [sflag:s0], $0x2000  }
.LBB2_14:
0xb8: {  	s3 =	sadd.s32 $0x1, s18;
	[sflag:s0] =	ssyncset.done @!p2 $0x0;
	s5 =	simm.s32 @!p3 $0x4  }
0xb9: {  	s1 =	sshra.s32 @!p1 s20, $0x2;
	p5 =	sge.s32 s3, s17;
	[sflag:s0] =	ssyncadd.s32 @!p2 $0xFFFFE000  }
0xba: {  	[hbm4b:s2+s24] =	stream.indirect.scatter @!p2 [tilespmem:s22], [sflag:$0x7], $0x40, s30, s24, $0xb8;
	[tilespmem:$0x10700] =	vst v63  }
0xbb: {  	p0 =	seq.s32 @!p5 s18, $0x0;
	s31 =	simm.s32 @!p5 $0x8700;
	_ =	swait.ge @!p3 [sflag:s5], $0x2000  }
0xbc: {  	s3 =	simm.s32 @!p6 $0x5;
	p0 =	por p0, p5;
	[sflag:s5] =	ssyncset.done @!p3 $0x0  }
0xbd: {  	s30 =	sshra.s32 @!p5 s20, $0x2;
	s24 =	simm.s32 @!p0 $0x6;
	[sflag:s5] =	ssyncadd.s32 @!p3 $0xFFFFE000  }
0xbe: {  	[hbm4b:s2+s28] =	stream.indirect.scatter @!p3 [tilespmem:s26], [sflag:$0x8], $0x40, s25, s28, $0xb8;
	[tilespmem:$0x10700] =	vst v63  }
0xbf: {  	s0 =	simm.s32 @!p1 $0x80;
	s5 =	sadd.s32 @!p5 $0x1980, s30;
	_ =	swait.ge @!p6 [sflag:s3], $0x2000  }
0xc0: {  	p2 =	sge.s32 s29, s17;
	s25 =	sadd.s32 @!p1 $0x1900, s1;
	[sflag:s3] =	ssyncset.done @!p6 $0x0  }
0xc1: {  	s22 =	simm.s32 @!p2 $0xA700;
	p3 =	seq.s32 @!p2 s18, $0x0;
	[sflag:s3] =	ssyncadd.s32 @!p6 $0xFFFFE000  }
0xc2: {  	[tilespmem:s19], [sflag:$0x1] =	stream.indirect.gather @!p1 [hbm4b:s4+s0], $0x40, s25, s0, $0xb8;
	[tilespmem:$0x10700] =	vst v63  }
0xc3: {  	p6 =	por p3, p2;
	s3 =	sadd.s32 @!p5 $0x3380, s30;
	_ =	swait.ge @!p0 [sflag:s24], $0x2000  }
0xc4: {  	s26 =	sshra.s32 @!p2 s20, $0x2;
	s25 =	simm.s32 @!p6 $0x7;
	[sflag:s24] =	ssyncset.done @!p0 $0x0  }
0xc5: {  	s6 =	simm.s32 @!p5 $0x80;
	s28 =	sadd.s32 @!p2 $0x1A00, s26;
	[sflag:s24] =	ssyncadd.s32 @!p0 $0xFFFFE000  }
0xc6: {  	[tilespmem:s31], [sflag:$0x2] =	stream.indirect.gather @!p5 [hbm4b:s4+s6], $0x40, s5, s6, $0xb8;
	[tilespmem:$0x10700] =	vst v63  }
0xc7: {  	p3 =	sge.s32 s21, s17;
	s30 =	sadd.s32 @!p2 $0x3400, s26;
	_ =	swait.ge @!p6 [sflag:s25], $0x2000  }
0xc8: {  	s24 =	simm.s32 @!p2 $0x80;
	p0 =	seq.s32 @!p3 s18, $0x0;
	[sflag:s25] =	ssyncset.done @!p6 $0x0  }
0xc9: {  	s5 =	sshra.s32 @!p3 s20, $0x2;
	[sflag:s25] =	ssyncadd.s32 @!p6 $0xFFFFE000;
	p6 =	por p0, p3  }
0xca: {  	s29 =	sadd.s32 @!p3 $0x1A80, s5;
	s25 =	sadd.s32 @!p3 $0x3480, s5;
	s21 =	simm.s32 @!p6 $0x8  }
0xcb: {  	[tilespmem:s22], [sflag:$0x3] =	stream.indirect.gather @!p2 [hbm4b:s4+s24], $0x40, s28, s24, $0xb8;
	[tilespmem:$0x10700] =	vst v63  }
0xcc: {  	s23 =	sadd.s32 $0xFFFFFFFF, s23;
	s5 =	simm.s32 @!p1 $0x1;
	_ =	swait.ge @!p6 [sflag:s21], $0x2000  }
0xcd: {  	s26 =	simm.s32 @!p3 $0xC700;
	s28 =	simm.s32 @!p3 $0x80;
	[sflag:s21] =	ssyncset.done @!p6 $0x0  }
0xce: {  	p0 =	sne.s32 s23, $0x0;
	[sflag:s21] =	ssyncadd.s32 @!p6 $0xFFFFE000  }
0xcf: {  	[tilespmem:s26], [sflag:$0x4] =	stream.indirect.gather @!p3 [hbm4b:s4+s28], $0x40, s29, s28, $0xb8;
	[tilespmem:$0x10700] =	vst v63  }
0xd0: {  	_ =	swait.ge @!p1 [sflag:s5], $0x2000  }
0xd1: {  	s8 =	simm.s32 @!p5 $0x2;
	s1 =	sadd.s32 @!p1 $0x3300, s1;
	[sflag:s5] =	ssyncset.done @!p1 $0x0  }
0xd2: {  	s18 =	sadd.s32 $0x4, s18;
	s20 =	sadd.s32 $0x800, s20;
	[sflag:s5] =	ssyncadd.s32 @!p1 $0xFFFFE000  }
0xd3: {  	[hbm4b:s2+s0] =	stream.indirect.scatter @!p1 [tilespmem:s19], [sflag:$0x5], $0x40, s1, s0, $0xb8;
	[tilespmem:$0x10700] =	vst v63  }
.Ltmp11:
0xd4: {  	s0 =	simm.s32 @!p2 $0x3;
	_ =	swait.ge @!p5 [sflag:s8], $0x2000;
	(pc) =	sbr.rel @p0 .LBB2_14-.Ltmp11, $4  }
0xd5: {  	s21 =	sadd.s32 $0x3, s18;
	p1 =	sge.s32 s18, s17;
	[sflag:s8] =	ssyncset.done @!p5 $0x0  }
0xd6: {  	s29 =	sadd.s32 $0x2, s18;
	p6 =	seq.s32 @!p1 s18, $0x0;
	[sflag:s8] =	ssyncadd.s32 @!p5 $0xFFFFE000  }
0xd7: {  	[hbm4b:s2+s6] =	stream.indirect.scatter @!p5 [tilespmem:s31], [sflag:$0x6], $0x40, s3, s6, $0xb8;
	[tilespmem:$0x10700] =	vst v63  }
0xd8: {  	s19 =	simm.s32 @!p1 $0x6700;
	p6 =	por p6, p1;
	_ =	swait.ge @!p2 [sflag:s0], $0x2000  }
0xd9: {  	s31 =	simm.s32 $0x0  }
.LBB2_16:
0xda: {  	p0 =	por p2, !p4  }
0xdb: {  	[sflag:s0] =	ssyncset.done @!p0 $0x0  }
0xdc: {  	p3 =	por p3, !p4;
	[sflag:s0] =	ssyncadd.s32 @!p0 $0xFFFFE000  }
0xdd: {  	[hbm4b:s2+s24] =	stream.indirect.scatter @!p0 [tilespmem:s22], [sflag:$0x7], $0x40, s30, s24, $0xb8;
	[tilespmem:$0x10700] =	vst v63  }
0xde: {  	s1 =	simm.s32 @!p3 $0x4;
	s24 =	sadd.s32 $0x1, s18  }
0xdf: {  	s6 =	simm.s32 @!p1 $0x80;
	_ =	swait.ge @!p3 [sflag:s1], $0x2000;
	p2 =	sge.s32 s24, s17  }
0xe0: {  	s0 =	simm.s32 @!p6 $0x5;
	[sflag:s1] =	ssyncset.done @!p3 $0x0;
	p0 =	seq.s32 @!p2 s18, $0x0  }
0xe1: {  	s3 =	simm.s32 @!p2 $0x8700;
	[sflag:s1] =	ssyncadd.s32 @!p3 $0xFFFFE000;
	p0 =	por p0, p2  }
0xe2: {  	[hbm4b:s2+s28] =	stream.indirect.scatter @!p3 [tilespmem:s26], [sflag:$0x8], $0x40, s25, s28, $0xb8;
	[tilespmem:$0x10700] =	vst v63  }
0xe3: {  	s1 =	sshra.s32 @!p1 s20, $0x2;
	s5 =	simm.s32 @!p0 $0x6;
	_ =	swait.ge @!p6 [sflag:s0], $0x2000  }
0xe4: {  	s8 =	sadd.s32 @!p1 $0x1900, s1;
	p3 =	sge.s32 s29, s17;
	[sflag:s0] =	ssyncset.done @!p6 $0x0  }
0xe5: {  	p4 =	seq.s32 @!p3 s18, $0x0;
	s23 =	simm.s32 @!p3 $0x80;
	[sflag:s0] =	ssyncadd.s32 @!p6 $0xFFFFE000  }
0xe6: {  	[tilespmem:s19], [sflag:$0x1] =	stream.indirect.gather @!p1 [hbm4b:s4+s6], $0x40, s8, s6, $0xb8;
	[tilespmem:$0x10700] =	vst v63  }
0xe7: {  	p5 =	por p4, p3;
	p4 =	sge.s32 s21, s17;
	_ =	swait.ge @!p0 [sflag:s5], $0x2000  }
0xe8: {  	s0 =	sshra.s32 @!p2 s20, $0x2;
	s22 =	simm.s32 @!p5 $0x7;
	[sflag:s5] =	ssyncset.done @!p0 $0x0  }
0xe9: {  	s8 =	sadd.s32 @!p2 $0x1980, s0;
	[sflag:s5] =	ssyncadd.s32 @!p0 $0xFFFFE000;
	s5 =	simm.s32 @!p2 $0x80  }
0xea: {  	[tilespmem:s3], [sflag:$0x2] =	stream.indirect.gather @!p2 [hbm4b:s4+s5], $0x40, s8, s5, $0xb8;
	[tilespmem:$0x10700] =	vst v63  }
0xeb: {  	s21 =	sshra.s32 @!p3 s20, $0x2;
	p0 =	seq.s32 @!p4 s18, $0x0;
	_ =	swait.ge @!p5 [sflag:s22], $0x2000  }
0xec: {  	s18 =	sadd.s32 @!p3 $0x1A00, s21;
	p0 =	por p0, p4;
	[sflag:s22] =	ssyncset.done @!p5 $0x0  }
0xed: {  	s8 =	simm.s32 @!p3 $0xA700;
	[sflag:s22] =	ssyncadd.s32 @!p5 $0xFFFFE000;
	s22 =	simm.s32 @!p0 $0x8  }
0xee: {  	[tilespmem:s8], [sflag:$0x3] =	stream.indirect.gather @!p3 [hbm4b:s4+s23], $0x40, s18, s23, $0xb8;
	[tilespmem:$0x10700] =	vst v63  }
0xef: {  	s24 =	simm.s32 @!p1 $0x1;
	_ =	swait.ge @!p0 [sflag:s22], $0x2000  }
0xf0: {  	s25 =	simm.s32 @!p4 $0x80;
	s18 =	sshra.s32 @!p4 s20, $0x2;
	[sflag:s22] =	ssyncset.done @!p0 $0x0  }
0xf1: {  	s26 =	simm.s32 @!p4 $0xC700;
	s20 =	sadd.s32 @!p4 $0x1A80, s18;
	[sflag:s22] =	ssyncadd.s32 @!p0 $0xFFFFE000  }
0xf2: {  	[tilespmem:s26], [sflag:$0x4] =	stream.indirect.gather @!p4 [hbm4b:s4+s25], $0x40, s20, s25, $0xb8;
	[tilespmem:$0x10700] =	vst v63  }
0xf3: {  	_ =	swait.ge @!p1 [sflag:s24], $0x2000  }
0xf4: {  	[sflag:s24] =	ssyncset.done @!p1 $0x0  }
0xf5: {  	s1 =	sadd.s32 @!p1 $0x3300, s1;
	s20 =	simm.s32 @!p2 $0x2;
	[sflag:s24] =	ssyncadd.s32 @!p1 $0xFFFFE000  }
0xf6: {  	[hbm4b:s2+s6] =	stream.indirect.scatter @!p1 [tilespmem:s19], [sflag:$0x5], $0x40, s1, s6, $0xb8;
	[tilespmem:$0x10700] =	vst v63  }
0xf7: {  	_ =	swait.ge @!p2 [sflag:s20], $0x2000  }
0xf8: {  	[sflag:s20] =	ssyncset.done @!p2 $0x0  }
0xf9: {  	s0 =	sadd.s32 @!p2 $0x3380, s0;
	s1 =	simm.s32 @!p3 $0x3;
	[sflag:s20] =	ssyncadd.s32 @!p2 $0xFFFFE000  }
0xfa: {  	[hbm4b:s2+s5] =	stream.indirect.scatter @!p2 [tilespmem:s3], [sflag:$0x6], $0x40, s0, s5, $0xb8;
	[tilespmem:$0x10700] =	vst v63  }
0xfb: {  	_ =	swait.ge @!p3 [sflag:s1], $0x2000  }
0xfc: {  	[sflag:s1] =	ssyncset.done @!p3 $0x0  }
0xfd: {  	s0 =	sadd.s32 @!p3 $0x3400, s21;
	s3 =	simm.s32 @!p4 $0x4;
	[sflag:s1] =	ssyncadd.s32 @!p3 $0xFFFFE000  }
0xfe: {  	[hbm4b:s2+s23] =	stream.indirect.scatter @!p3 [tilespmem:s8], [sflag:$0x7], $0x40, s0, s23, $0xb8;
	[tilespmem:$0x10700] =	vst v63  }
0xff: {  	_ =	swait.ge @!p4 [sflag:s3], $0x2000  }
0x100: {  	[sflag:s3] =	ssyncset.done @!p4 $0x0;
	s30 =	sld [smem:$0x7FD]  }
0x101: {  	s0 =	sadd.s32 @!p4 $0x3480, s18;
	s5 =	rddreg [dreg:$0x3];
	[sflag:s3] =	ssyncadd.s32 @!p4 $0xFFFFE000  }
0x102: {  	[hbm4b:s2+s25] =	stream.indirect.scatter @!p4 [tilespmem:s26], [sflag:$0x8], $0x40, s0, s25, $0xb8;
	[tilespmem:$0x10700] =	vst v63  }
0x103: {  	s8 =	simm.s32 $0xA;
	s6 =	rddreg [dreg:$0x4];
	p6 =	seq.s32 s30, $0x1  }
.LBB2_17:
0x104: {  	p0 =	slt.s32 s17, $0x1  }
0x105: {  	s0 =	simm.s32 @!p0 $0x5;
	p1 =	seq.s32 @!p0 s17, $0x1  }
0x106: {  	_ =	swait.ge @!p0 [sflag:s0], $0x2000;
	p2 =	por p1, p0  }
0x107: {  	[sflag:s0] =	ssyncset.done @!p0 $0x0;
	p3 =	slt.u32 @!p2 s17, $0x3  }
0x108: {  	[sflag:s0] =	ssyncadd.s32 @!p0 $0xFFFFE000;
	s0 =	simm.s32 @!p2 $0x6;
	p4 =	por @!p0 p3, p1  }
0x109: {  	_ =	swait.ge @!p2 [sflag:s0], $0x2000;
	p4 =	por p4, p0  }
0x10a: {  	[sflag:s0] =	ssyncset.done @!p2 $0x0;
	p5 =	seq.s32 @!p4 s17, $0x3  }
0x10b: {  	p3 =	por @!p2 p5, p3;
	[sflag:s0] =	ssyncadd.s32 @!p2 $0xFFFFE000;
	s0 =	simm.s32 @!p4 $0x7  }
0x10c: {  	_ =	swait.ge @!p4 [sflag:s0], $0x2000;
	p1 =	por @!p0 p3, p1  }
0x10d: {  	[sflag:s0] =	ssyncset.done @!p4 $0x0;
	p0 =	por p1, p0  }
0x10e: {  	[sflag:s0] =	ssyncadd.s32 @!p4 $0xFFFFE000;
	s0 =	simm.s32 @!p0 $0x8  }
0x10f: {  	_ =	swait.ge @!p0 [sflag:s0], $0x2000  }
0x110: {  	[sflag:s0] =	ssyncset.done @!p0 $0x0  }
0x111: {  	[sflag:s0] =	ssyncadd.s32 @!p0 $0xFFFFE000  }
.LBB2_18:
.Ltmp12:
0x112: {  	(pc) =	sbr.rel @p6 .LBB2_22-.Ltmp12, $1  }
0x113: {  	_ =	sdelay $0x3  }
0x114: {  	p0 =	sne.s32 s16, $0x1  }
.Ltmp13:
0x115: {  	_ = 	snop;
	(pc) =	sbr.rel @!p0 .LBB2_21-.Ltmp13, $3  }
0x116: {  	_ =	sdelay $0x1  }
0x117: {  	_ =	swait.ge [sflag:s14], $0x2000  }
0x118: {  	s0 =	sadd.s32 $0xFFFFFFFF, s16;
	[sflag:s14] =	ssyncset.done $0x0  }
.LBB2_20:
0x119: {  	p0 =	sne.s32 s0, $0x1;
	s0 =	sadd.s32 $0xFFFFFFFF, s0;
	[sflag:s14] =	ssyncadd.s32 $0xFFFFE000  }
.Ltmp14:
0x11a: {  	(pc) =	sbr.rel @p0 .LBB2_20-.Ltmp14, $3  }
0x11b: {  	_ =	sdelay $0x1  }
0x11c: {  	_ =	swait.ge [sflag:s14], $0x2000  }
0x11d: {  	[sflag:s14] =	ssyncset.done $0x0  }
.Ltmp15:
0x11e: {  	_ = 	snop;
	(pc) =	sbr.rel .LBB2_21-.Ltmp15, $1  }
0x11f: {  	_ =	sdelay $0x3  }
.LBB2_11:
.Ltmp16:
0x120: {  	(pc) =	sbr.rel .LBB2_16-.Ltmp16, $2  }
0x121: {  	_ =	sdelay $0x2  }
0x122: {  	s20 =	simm.s32 $0x0  }
.LBB2_13:
.Ltmp17:
0x123: {  	(pc) =	sbr.rel .LBB2_16-.Ltmp17, $2  }
0x124: {  	_ =	sdelay $0x2  }
0x125: {  	s31 =	simm.s32 $0x0  }
.LBB2_23:
0x126: {  	_ =	sfence.sel $0x180000  }
0x127: {  	[bflag:$0x0] =	sbarrier.arrive $0xFFFF  }
0x128: {  	_ =	strace $0x90000047  }
0x129: {  	s0 =	stileid.u32;
	[bflag:$0x2] =	sbarrier.arrive $0xFFFF  }
0x12a: {  	p0 =	sne.s32 s0, $0x0;
	s0 =	rddreg [dreg:$0x2]  }
0x12b: {  	s0 =	sadd.s32 @!p0 $0x100000, s0  }
0x12c: {  	[sflag:s0] =	ssyncadd.tile.s32 @!p0 $0x1;
	_ =	shalt  }
.Lfunc_end2:
_tile_overlayer_lowered:
.L_overlay_start_2:
0x12d: {  	(tag) =	ssettag $0x2  }
0x12e: {  	s0 =	rddreg [dreg:$0x0];
	s2 =	stileid.u32  }
0x12f: {  	s1 =	rddreg [dreg:$0x1];
	p0 =	sne.s32 s2, $0x0  }
0x130: {  	s3 =	rddreg [dreg:$0x2];
	[bflag:$0x3] =	sbarrier.arrive $0xFFFF;
	s2 =	simm.s32 @!p0 $0x1C0A  }
0x131: {  	[timem:s3], [sflag:s2] =	dma.local @!p0 [hbm:s0], s1  }
0x132: {  	s0 =	simm.s32 @!p0 $0xA  }
0x133: {  	_ =	swait.ge @!p0 [sflag:s0], s1  }
0x134: {  	s1 =	ssub.s32 @!p0 $0x0, s1;
	[sflag:s0] =	ssyncset.done @!p0 $0x0  }
0x135: {  	[sflag:s0] =	ssyncadd.s32 @!p0 s1  }
0x136: {  	[bflag:$0x3] =	sbarrier.arrive $0xFFFF  }
0x137: {  	_ =	shalt  }

// kernel: sparse-core-data-format-call.cloned.1.call-start
scs
called_computation_lowered:
.L_overlay_start_0:
0x0: {  	s2 =	sld [smem:$0x3FD9]  }
0x1: {  	s3 =	sld [smem:$0x3FFE];
	_ =	sdelay $0x1  }
0x2: {  	s1 =	srdreg.scid  }
0x3: {  	s0 =	sand.u32 $0x1, s1  }
0x4: {  	s18 =	sshll.u32 s0, $0xA;
	s2 =	sadd.s32 s3, s2  }
0x5: {  	s2 =	sadd.s32 s2, s18  }
0x6: {  	[smem:$0x3FC6] =	sst s2  }
0x7: {  	_ = 	snop  }
0x8: {  	s2 =	sld [smem:$0x3FD0];
	(tm) =	ssettm $0x1  }
0x9: {  	s19 =	sld [smem:$0x3FFB];
	_ =	sdelay $0x3  }
0xa: {  	_ =	strace s19  }
0xb: {  	s3 =	sld [smem:$0x3FFC];
	_ =	sdelay $0x3  }
0xc: {  	_ =	strace s3  }
0xd: {  	s3 =	sld [smem:$0x3FFD];
	_ =	sdelay $0x3  }
0xe: {  	_ =	strace s3  }
0xf: {  	_ =	strace $0x8FFFFFFF  }
0x10: {  	s20 =	sld [smem:$0x3FDB];
	_ =	sdelay $0x1  }
0x11: {  	s4 =	simm.s32 $_scs_section_size  }
0x12: {  	s5 =	simm.s32 $_size__tile_overlayer_lowered;
	s6 =	simm.s32 $_tile_overlayer_lowered  }
0x13: {  	s23 =	simm.s32 $0x1BFF;
	s22 =	sshll.u32 s6, $0x1;
	s3 =	sadd.s32 s4, s20  }
0x14: {  	s7 =	simm.s32 $0x0;
	s21 =	sshll.u32 s5, $0x1;
	s5 =	sadd.s32 s22, s3  }
0x15: {  	[timem:s7], [sflag:s23] =	dma.local [hbm:s5], s21  }
0x16: {  	_ =	swait.ge [sflag:s23], s21  }
0x17: {  	s4 =	ssub.s32 $0x0, s21;
	[sflag:s23] =	ssyncset.done $0x0  }
0x18: {  	[sflag:s23] =	ssyncadd.s32 s4;
	_ =	sdelay $0x1  }
0x19: {  	s24 =	simm.s32 $0x1B8B  }
0x1a: {  	_ =	swait.ge [sflag:s24], $0x1  }
0x1b: {  	[sflag:s24] =	ssyncset.done $0x0  }
0x1c: {  	s26 =	simm.s32 $0x1B8E;
	s25 =	sld [smem:$0x3FFE];
	[sflag:s24] =	ssyncadd.s32 $0xFFFFFFFF  }
0x1d: {  	s27 =	simm.s32 $execute0_lowered;
	[smem:$0x3FD2] =	sst s26  }
0x1e: {  	s5 =	sshll.u32 s27, $0x1;
	_ =	strace $0x80000049;
	[dreg:$0x1] =	wrdreg $0xFFFFFFFF  }
0x1f: {  	s28 =	simm.s32 $_size_execute0_lowered;
	s3 =	sadd.s32 s3, s5;
	[dreg:$0x0] =	wrdreg $0x0  }
0x20: {  	s5 =	sshll.u32 s28, $0x1;
	[dreg:$0x2] =	wrdreg s3  }
0x21: {  	[dreg:$0x3] =	wrdreg s5  }
0x22: {  	[dreg:$0x4] =	wrdreg $0xC0  }
0x23: {  	_ =	task [dreg:s7], $0x5FFFF  }
0x24: {  	[dreg:$0x1] =	wrdreg $0xFFFFFFFF  }
0x25: {  	[dreg:$0x0] =	wrdreg $0x60  }
0x26: {  	[dreg:$0x2] =	wrdreg s25  }
0x27: {  	[dreg:$0x3] =	wrdreg s2  }
0x28: {  	[dreg:$0x4] =	wrdreg $0x9  }
0x29: {  	_ =	task.clear_ibuf [dreg:s7], $0x5FFFF;
	_ =	strace $0x90000049  }
0x2a: {  	s29 =	simm.s32 $0x9;
	_ =	strace $0x8000004B  }
0x2b: {  	_ =	swait.ge [sflag:s29], $0x1  }
0x2c: {  	[sflag:s29] =	ssyncadd.s32 $0xFFFFFFFF  }
0x2d: {  	_ =	strace $0x9000004B  }
0x2e: {  	_ =	sfence  }
0x2f: {  	s30 =	sld [smem:$0x0];
	_ =	sdelay $0x2  }
0x30: {  	s31 =	sshll.u32 s1, $0xD;
	s1 =	sshrl.u32 s1, $0x2  }
0x31: {  	s3 =	sand.u32 $0x4000, s31;
	s1 =	sadd.s32 s1, s30  }
0x32: {  	s0 =	sor.u32 s3, s0;
	s1 =	sshll.u32 s1, $0x11  }
0x33: {  	s0 =	sor.u32 s1, s0  }
0x34: {  	s0 =	sadd.s32 $0x8F2B, s0  }
0x35: {  	[sflag:s0] =	ssyncadd.remote.s32 $0x1  }
0x36: {  	_ =	sfence.sel $0xFFFF  }
0x37: {  	[dreg:$0x0] =	wrdreg $0xFFFFFFFF;
	(pc) =	sbr.abs _section_cstart, $3  }
0x38: {  	[dreg:$0x1] =	wrdreg $0xFFFFFFFF  }
0x39: {  	_ =	task.clear_ibuf [dreg:s7], $0x2FFFF;
	_ =	strace $0x9FFFFFFF  }
0x3a: {  	(tm) =	ssettm $0x7FFFFFFF  }
0x3b: {  	_ =	shalt  }
tec
execute0_lowered:
.L_overlay_start_1:
0x0: {  	(tag) =	ssettag $0x1  }
0x1: {  	s0 =	srdreg.scid  }
0x2: {  	s1 =	sshll.u32 s0, $0x4  }
0x3: {  	s0 =	stileid.u32;
	s1 =	sand.u32 $0x10, s1  }
0x4: {  	s1 =	sor.u32 s0, s1  }
0x5: {  	s6 =	rddreg [dreg:$0x0];
	s4 =	simm.s32 $0x1;
	s2 =	sshll.u32 s1, $0x7  }
0x6: {  	s7 =	simm.s32 $0x2;
	s12 =	simm.s32 $0x0;
	s1 =	ssub.s32 $0x1000, s2  }
0x7: {  	s8 =	simm.s32 $0x8000;
	s13 =	simm.s32 $0x0;
	s3 =	sand.u32 $0xF80, s1  }
0x8: {  	s9 =	simm.s32 $0x0;
	s5 =	sshrl.u32 s1, $0xC;
	p0 =	sne.s32 s3, $0x0  }
.Ltmp0:
0x9: {  	s1 =	rddreg [dreg:$0x2];
	s4 =	simm.s32 @!p0 $0x0;
	(pc) =	sbr.rel .LBB1_1-.Ltmp0, $4  }
0xa: {  	s11 =	simm.s32 $0x0;
	s3 =	rddreg [dreg:$0x1];
	s5 =	sadd.s32 s4, s5  }
0xb: {  	_ =	strace $0x8000004A;
	s4 =	simm.s32 $0x1;
	s5 =	smul.u32 $0x32, s5  }
0xc: {  	s6 =	sadd.s32 $0xA00, s6;
	s10 =	smov.u32 s2;
	[sflag:s4] =	ssyncpa.u1 $0x0  }
0xd: {  	p0 =	por $0x0, $0x0;
	[sflag:s7] =	ssyncpa.u1 $0x0;
	s7 =	sor.u32 $0x1, s5  }
.LBB1_4:
0xe: {  	s16 =	sshll.u32 s13, $0x3;
	s17 =	sand.u32 $0x78, s13  }
0xf: {  	s30 =	sand.u32 $0x7E00, s13;
	s12 =	sshll.u32 s12, $0xF;
	s16 =	sand.u32 $0xC00, s16  }
0x10: {  	[tilespmem:s15+$0x810 ss:$0x81] =	vst.msk $0xffff, v2;
	s31 =	sand.u32 $0x7, s13;
	s16 =	sor.u32 s17, s16;
	s17 =	sadd.s32 s3, s30  }
0x11: {  	[tilespmem:s15+$0x1020 ss:$0x81] =	vst.msk $0xffff, v0;
	s13 =	sshll.u32 s31, $0x12;
	s12 =	sadd.s32 s12, s17;
	s16 =	sshrl.u32 s16, $0x3  }
0x12: {  	[tilespmem:s15+$0x0 ss:$0x81] =	vst.msk $0xffff, v1;
	s13 =	sor.u32 $0x400, s13;
	s12 =	sadd.s32 s16, s12  }
0x13: {  	[hbm4b:s12+s13] =	stream.strided.scatter [tilespmem:s14], [sflag:$0x2], $0x2000, s8, s13, $0x20;
	[tilespmem:$0x8080] =	vst v63  }
.LBB1_5:
0x14: {  	s14 =	sadd.s32 $0x1, s9  }
0x15: {  	s12 =	sadd.s32 $0x1000, s10;
	s16 =	smov.u32 s10;
	p2 =	sgt.s32 s14, $0x31  }
0x16: {  	s16 =	smov.u32 @p2 s12  }
0x17: {  	s14 =	simm.s32 @p2 $0x0;
	p2 =	sgt.s32 s16, $0xFFF  }
0x18: {  	s16 =	smov.u32 @p2 s2;
	p2 =	sne.s32 s11, s7  }
.Ltmp1:
0x19: {  	p1 =	slt.u32 s11, $0x2;
	(pc) =	sbr.rel @!p2 .LBB1_6-.Ltmp1, $4  }
0x1a: {  	s15 =	simm.s32 @!p1 $0x2  }
0x1b: {  	s13 =	smov.u32 s10;
	p0 =	por !p0, !p0;
	_ =	swait.ge @!p1 [sflag:s15], $0x2000  }
0x1c: {  	s12 =	smov.u32 s9;
	[sflag:s15] =	ssyncset.done @!p1 $0x0;
	s9 =	smov.u32 s14  }
0x1d: {  	s11 =	sadd.s32 $0x1, s11;
	[sflag:s15] =	ssyncadd.s32 @!p1 $0xFFFFE000;
	s10 =	smov.u32 s16  }
.LBB1_1:
0x1e: {  	p1 =	sge.u32 s11, s5  }
0x1f: {  	s14 =	sand.u32 @!p1 $0x1FFFFFF, s9  }
0x20: {  	s15 =	smulhi.u32 @!p1 $0x4924925, s14;
	_ =	sdelay $0x1  }
0x21: {  	s15 =	smul.u32 @!p1 $0x38, s15  }
0x22: {  	s16 =	sxor.u32 @!p1 $0xFFFFFFFF, s11;
	s17 =	smul.u32 @!p1 $0x380, s10  }
0x23: {  	s31 =	sadd.s32 $0xFFFFFFFF, s11;
	s16 =	sshll.u32 @!p1 s16, $0xD;
	s14 =	ssub.s32 @!p1 s14, s15  }
0x24: {  	s15 =	sand.u32 @!p1 $0x2000, s16;
	s16 =	sadd.s32 @!p1 s6, s17;
	s14 =	sshll.u32 @!p1 s14, $0x4  }
0x25: {  	s17 =	simm.s32 @!p1 $0x1C00;
	s14 =	sadd.s32 @!p1 s14, s16;
	s16 =	simm.s32 @!p1 $0x40  }
0x26: {  	[tilespmem:s15], [sflag:$0x1] =	stream.strided.gather @!p1 [hbm4b:s14+s16], $0x2000, s17, s16, $0x38;
	[tilespmem:$0x8080] =	vst v63  }
0x27: {  	p1 =	sge.u32 s31, s5  }
.Ltmp2:
0x28: {  	_ = 	snop;
	(pc) =	sbr.rel @p1 .LBB1_5-.Ltmp2, $1  }
0x29: {  	_ =	sdelay $0x3  }
0x2a: {  	s14 =	simm.s32 $0x1  }
0x2b: {  	_ =	swait.ge [sflag:s4], $0x2000;
	s14 =	simm.s32 @!p0 $0x0  }
0x2c: {  	[sflag:s4] =	ssyncset.done $0x0;
	s15 =	sshll.u32 s14, $0xD  }
0x2d: {  	[sflag:s4] =	ssyncadd.s32 $0xFFFFE000;
	s18 =	sor.u32 $0x20, s15  }
0x2e: {  	s14 =	smul.u32 $0x8100, s14;
	v3 =	vld [tilespmem:s18+$0x10]  }
0x2f: {  	s30 =	sand.u32 $0x1, s11;
	v2 =	vld [tilespmem:s18+$0xFFFFFFF0]  }
0x30: {  	s15 =	smul.u32 $0x8100, s30;
	s14 =	sshrl.u32 s14, $0x2;
	v0 =	vld [tilespmem:s18+$0x0]  }
0x31: {  	v1 =	vld [tilespmem:s18+$0xFFFFFFE0];
	s16 =	sor.u32 $0x4000, s14  }
0x32: {  	s31 =	sshrl.u32 s15, $0x2;
	s15 =	sadd.s32 $0x0, s16  }
0x33: {  	s17 =	simm.s32 $0x4;
	s18 =	sadd.s32 $0x40, s18;
	s14 =	sor.u32 $0x4000, s31;
	[tilespmem:s15+$0x1830 ss:$0x81] =	vst.msk $0xffff, v3  }
.LBB1_3:
0x34: {  	v3 =	vld [tilespmem:s18+$0x10];
	p1 =	sne.s32 s17, $0x1FC;
	[tilespmem:s15+$0x810 ss:$0x81] =	vst.msk $0xffff, v2;
	s19 =	smov.u32 s17;
	s17 =	sadd.s32 $0x4, s17  }
.Ltmp3:
0x35: {  	v2 =	vld [tilespmem:s18+$0xFFFFFFF0];
	[tilespmem:s15+$0x1020 ss:$0x81] =	vst.msk $0xffff, v0;
	(pc) =	sbr.rel @p1 .LBB1_3-.Ltmp3, $4  }
0x36: {  	v0 =	vld [tilespmem:s18+$0x0];
	[tilespmem:s15+$0x0 ss:$0x81] =	vst.msk $0xffff, v1  }
0x37: {  	s15 =	sshra.s32 s19, $0x2;
	v1 =	vld [tilespmem:s18+$0xFFFFFFE0]  }
0x38: {  	s15 =	sadd.s32 s15, s16  }
0x39: {  	s18 =	sadd.s32 $0x40, s18;
	[tilespmem:s15+$0x1830 ss:$0x81] =	vst.msk $0xffff, v3  }
.Ltmp4:
0x3a: {  	_ = 	snop;
	(pc) =	sbr.rel .LBB1_4-.Ltmp4, $1  }
0x3b: {  	_ =	sdelay $0x3  }
.LBB1_6:
0x3c: {  	_ =	sfence.sel $0x180000  }
0x3d: {  	s2 =	simm.s32 $0x1;
	[bflag:$0x0] =	sbarrier.arrive $0xFFFF  }
0x3e: {  	s31 =	simm.s32 $0x2;
	[sflag:s2] =	ssyncpa.u1 $0x1  }
0x3f: {  	[sflag:s31] =	ssyncpa.u1 $0x1  }
0x40: {  	p0 =	sne.s32 s0, $0x0;
	_ =	strace $0x9000004A  }
0x41: {  	s0 =	sadd.s32 @!p0 $0x100000, s1;
	[bflag:$0x2] =	sbarrier.arrive $0xFFFF  }
0x42: {  	[sflag:s0] =	ssyncadd.tile.s32 @!p0 $0x1;
	_ =	shalt  }
.Lfunc_end1:
_tile_overlayer_lowered:
.L_overlay_start_2:
0x43: {  	(tag) =	ssettag $0x2  }
0x44: {  	s0 =	rddreg [dreg:$0x0];
	s2 =	stileid.u32  }
0x45: {  	s1 =	rddreg [dreg:$0x1];
	p0 =	sne.s32 s2, $0x0  }
0x46: {  	s3 =	rddreg [dreg:$0x2];
	[bflag:$0x3] =	sbarrier.arrive $0xFFFF;
	s2 =	simm.s32 @!p0 $0x1C01  }
0x47: {  	[timem:s3], [sflag:s2] =	dma.local @!p0 [hbm:s0], s1  }
0x48: {  	s0 =	simm.s32 @!p0 $0x1  }
0x49: {  	_ =	swait.ge @!p0 [sflag:s0], s1  }
0x4a: {  	s1 =	ssub.s32 @!p0 $0x0, s1;
	[sflag:s0] =	ssyncset.done @!p0 $0x0  }
0x4b: {  	[sflag:s0] =	ssyncadd.s32 @!p0 s1  }
0x4c: {  	[bflag:$0x3] =	sbarrier.arrive $0xFFFF  }
0x4d: {  	_ =	shalt  }

</sc_bundles>
